<compile_context>
chip_gen: v7x
topology: tpu7x:2x2x1
jax: 0.10.2.dev20260603
libtpu: 0.0.44.dev20260713+nightly
codegen_flags: <defaults>
</compile_context>

<pallas_src>
import jax
import jax.numpy as jnp
from jax import lax
from jax.experimental import pallas as pl
from jax.experimental.pallas import tpu as pltpu
from jax.experimental.pallas import tpu_sc as plsc

NUM_FEATURES = 100000
D = 128
B = 4096
L = 50
NC = 2
NS = 16
NW = NC * NS
BPW = B // NW
G = 2
K = G * L
NCHUNK = BPW // G
LANES = 16
DV = D // LANES
LPAD = 64
NBUF = 8


def _bcast_lane(vec, j):
  idx = jnp.full((LANES, 1), j, jnp.int32)
  dnums = lax.GatherDimensionNumbers(
      offset_dims=(), collapsed_slice_dims=(0,), start_index_map=(0,))
  return lax.gather(vec, idx, dnums, (1,),
                    mode=lax.GatherScatterMode.PROMISE_IN_BOUNDS)


def _body(table_hbm, idx_hbm, val_hbm, bias_hbm, out_hbm,
          idx_v, val_v, bias_v, rows_v, obuf, gsem, osem):
  wid = lax.axis_index("s") * NC + lax.axis_index("c")

  pltpu.sync_copy(idx_hbm.at[wid], idx_v)

  for c in range(NBUF - 1):
    pltpu.async_copy(table_hbm.at[idx_v.at[c]],
                     rows_v.at[pl.ds(c * K, K)], gsem.at[c])

  pltpu.sync_copy(val_hbm.at[wid], val_v)
  pltpu.sync_copy(bias_hbm, bias_v)

  def accumulate(c, slot):
    for s in range(G):
      ls = G * c + s
      acc = tuple(bias_v[pl.ds(LANES * d, LANES)] for d in range(DV))
      for g in range(L // LANES):
        vv = val_v[pl.ds(ls * LPAD + LANES * g, LANES)]
        base = slot * K + s * L + LANES * g

        def jstep(j, acc, vv=vv, base=base):
          vsp = _bcast_lane(vv, j)
          r = base + j
          return tuple(acc[d] + vsp * rows_v[r, pl.ds(LANES * d, LANES)]
                       for d in range(DV))

        acc = plsc.parallel_loop(0, LANES, unroll=4, carry=acc)(jstep)
      vv = val_v[pl.ds(ls * LPAD + LANES * (L // LANES), LANES)]
      for t in range(L % LANES):
        v = vv[t]
        acc = tuple(acc[d] + v * rows_v[slot * K + s * L
                                        + LANES * (L // LANES) + t,
                                        pl.ds(LANES * d, LANES)]
                    for d in range(DV))
      for d in range(DV):
        obuf[slot * G + s, pl.ds(LANES * d, LANES)] = acc[d]

  def step(c, _):
    slot = lax.rem(c, NBUF)
    nxt = c + NBUF - 1
    slot_n = lax.rem(nxt, NBUF)

    @pl.when(nxt < NCHUNK)
    def _():
      pltpu.async_copy(table_hbm.at[idx_v.at[nxt]],
                       rows_v.at[pl.ds(slot_n * K, K)], gsem.at[slot_n])

    pltpu.make_async_copy(table_hbm.at[idx_v.at[c]],
                          rows_v.at[pl.ds(slot * K, K)], gsem.at[slot]).wait()

    @pl.when(c >= NBUF)
    def _():
      pltpu.make_async_copy(
          obuf.at[pl.ds(slot * G, G)],
          out_hbm.at[pl.ds(wid * BPW + G * c, G)], osem.at[slot]).wait()

    accumulate(c, slot)
    pltpu.async_copy(
        obuf.at[pl.ds(slot * G, G)],
        out_hbm.at[pl.ds(wid * BPW + G * c, G)], osem.at[slot])
    return _

  lax.fori_loop(0, NCHUNK, step, None)

  for p in range(NBUF):
    c = NCHUNK - NBUF + p
    slot = c % NBUF
    pltpu.make_async_copy(
        obuf.at[pl.ds(slot * G, G)],
        out_hbm.at[pl.ds(wid * BPW + G * c, G)], osem.at[slot]).wait()


@jax.jit
def _run(weight, idx3, val2, bias):
  mesh = plsc.VectorSubcoreMesh(
      core_axis_name="c", subcore_axis_name="s",
      num_cores=NC, num_subcores=NS)
  scratch = [
      pltpu.VMEM((NCHUNK, K), jnp.int32),
      pltpu.VMEM((BPW * LPAD,), jnp.float32),
      pltpu.VMEM((D,), jnp.float32),
      pltpu.VMEM((NBUF * K, D), jnp.float32),
      pltpu.VMEM((NBUF * G, D), jnp.float32),
      pltpu.SemaphoreType.DMA((NBUF,)),
      pltpu.SemaphoreType.DMA((NBUF,)),
  ]
  f = pl.kernel(
      _body,
      out_type=jax.ShapeDtypeStruct((B, D), jnp.float32),
      mesh=mesh,
      scratch_types=scratch,
  )
  return f(weight, idx3, val2, bias)


def kernel(feature_indices, feature_values, weight, bias):
  idx3 = feature_indices.reshape(NW, NCHUNK, K)
  val2 = jnp.pad(feature_values, ((0, 0), (0, LPAD - L))).reshape(NW, BPW * LPAD)
  return _run(weight, idx3, val2, bias)

# --- scband reference (transcript-rebuilt; emitter-appended) ---
"""Pipeline reference for scband-feature-transformer-19189913878891 (READ-ONLY COPY).

The authoritative reference and input builder live on the scoring server;
editing this copy changes nothing except your own understanding.
"""

import jax, jax.numpy as jnp
import numpy as np

NUM_FEATURES = 100000
OUTPUT_SIZE = 128
BATCH = 4096
HIST = 50

def setup_inputs(seed: int = 0) -> dict:
    key = jax.random.key(seed)
    k1, k2, k3, k4 = jax.random.split(key, 4)
    feature_indices = jax.random.randint(k1, (BATCH, HIST), 0, NUM_FEATURES, dtype=jnp.int32)
    feature_values = jax.random.uniform(k2, (BATCH, HIST), dtype=jnp.float32)
    weight = jax.random.normal(k3, (NUM_FEATURES, OUTPUT_SIZE), dtype=jnp.float32) * 0.1
    bias = jnp.zeros((OUTPUT_SIZE,), dtype=jnp.float32)
    return {"feature_indices": feature_indices, "feature_values": feature_values, "weight": weight, "bias": bias}

def reference(feature_indices, feature_values, weight, bias):
    # Faithful vectorization of the per-batch loop:
    # mask out invalid (<0) indices, clamp to valid range, gather rows,
    # scale by values, sum over the feature axis, add bias.
    valid_mask = feature_indices >= 0
    safe_idx = jnp.clip(feature_indices, 0, NUM_FEATURES - 1)
    feature_weights = jnp.take(weight, safe_idx, axis=0)  # [B, L, D]
    masked_values = jnp.where(valid_mask, feature_values, 0.0)
    contributions = jnp.sum(feature_weights * masked_values[..., None], axis=1)  # [B, D]
    output = bias[None, :] + contributions
    return output

if __name__ == "__main__":
    import jax
    _d = setup_inputs()
    print(jax.jit(kernel)(*tuple(_d.values())))

</pallas_src>

<mosaic_0001>
#map = affine_map<(d0, d1) -> (0, 0)>
#map1 = affine_map<(d0, d1) -> (0, 0, 0)>
#map2 = affine_map<(d0, d1) -> (0)>
module attributes {stable_mosaic.version = 14 : i64} {
  func.func @_body(%arg0: i32, %arg1: i32, %arg2: memref<100000x128xf32, #tpu.memory_space<hbm>>, %arg3: memref<32x64x100xi32, #tpu.memory_space<hbm>>, %arg4: memref<32x8192xf32, #tpu.memory_space<hbm>>, %arg5: memref<128xf32, #tpu.memory_space<hbm>>, %arg6: memref<4096x128xf32, #tpu.memory_space<hbm>>, %arg7: memref<64x100xi32, #tpu.memory_space<vmem>>, %arg8: memref<8192xf32, #tpu.memory_space<vmem>>, %arg9: memref<128xf32, #tpu.memory_space<vmem>>, %arg10: memref<800x128xf32, #tpu.memory_space<vmem>>, %arg11: memref<16x128xf32, #tpu.memory_space<vmem>>, %arg12: memref<8x!tpu.dma_semaphore, #tpu.memory_space<semaphore_mem>>, %arg13: memref<8x!tpu.dma_semaphore, #tpu.memory_space<semaphore_mem>>) attributes {dimension_semantics = [#tpu.dimension_semantics<core_parallel>, #tpu.dimension_semantics<subcore_parallel>], iteration_bounds = array<i64: 2, 16>, scalar_prefetch = 0 : i64, scratch_operands = 7 : i64, tpu.core_type = #tpu.core_type<sc_vector_subcore>, window_params = [{transform_indices = #map}, {transform_indices = #map1}, {transform_indices = #map}, {transform_indices = #map2}, {transform_indices = #map}]} {
    %mul3A = arith.constant 2 : i32
    %mul3A_0 = arith.muli %arg1, %mul3A : i32
    %add3A = arith.addi %mul3A_0, %arg0 : i32
    "tpu.region"() ({
      %run_scoped3A = tpu.sem_alloc : memref<!tpu.dma_semaphore, #tpu.memory_space<semaphore_mem>>
      %dma_start3A_230 = arith.constant 0 : i32
      %dma_start3A_231 = arith.constant 0 : i32
      %dma_start3A_232 = tpu.memref_slice %arg3[%add3A, %dma_start3A_230, %dma_start3A_231] : memref<32x64x100xi32, #tpu.memory_space<hbm>> -> memref<1x64x100xi32, #tpu.memory_space<hbm>>
      %dma_start3A_233 = tpu.memref_squeeze %dma_start3A_232 : memref<1x64x100xi32, #tpu.memory_space<hbm>> -> memref<64x100xi32, #tpu.memory_space<hbm>>
      %dma_start3A_234 = arith.constant 0 : i32
      %dma_start3A_235 = arith.constant 0 : i32
      %dma_start3A_236 = tpu.memref_slice %arg3[%add3A, %dma_start3A_234, %dma_start3A_235] : memref<32x64x100xi32, #tpu.memory_space<hbm>> -> memref<1x64x100xi32, #tpu.memory_space<hbm>>
      %dma_start3A_237 = tpu.memref_squeeze %dma_start3A_236 : memref<1x64x100xi32, #tpu.memory_space<hbm>> -> memref<64x100xi32, #tpu.memory_space<hbm>>
      tpu.enqueue_dma source(%dma_start3A_237 : memref<64x100xi32, #tpu.memory_space<hbm>>) target(%arg7 : memref<64x100xi32, #tpu.memory_space<vmem>>) target_semaphore(%run_scoped3A : memref<!tpu.dma_semaphore, #tpu.memory_space<semaphore_mem>>)
      %dma_wait3A_238 = arith.constant 0 : i32
      %dma_wait3A_239 = arith.constant 0 : i32
      %dma_wait3A_240 = tpu.memref_slice %arg3[%add3A, %dma_wait3A_238, %dma_wait3A_239] : memref<32x64x100xi32, #tpu.memory_space<hbm>> -> memref<1x64x100xi32, #tpu.memory_space<hbm>>
      %dma_wait3A_241 = tpu.memref_squeeze %dma_wait3A_240 : memref<1x64x100xi32, #tpu.memory_space<hbm>> -> memref<64x100xi32, #tpu.memory_space<hbm>>
      %dma_wait3A_242 = arith.constant 0 : i32
      %dma_wait3A_243 = arith.constant 0 : i32
      %dma_wait3A_244 = tpu.memref_slice %arg3[%add3A, %dma_wait3A_242, %dma_wait3A_243] : memref<32x64x100xi32, #tpu.memory_space<hbm>> -> memref<1x64x100xi32, #tpu.memory_space<hbm>>
      %dma_wait3A_245 = tpu.memref_squeeze %dma_wait3A_244 : memref<1x64x100xi32, #tpu.memory_space<hbm>> -> memref<64x100xi32, #tpu.memory_space<hbm>>
      tpu.wait_dma2 semaphore(%run_scoped3A : memref<!tpu.dma_semaphore, #tpu.memory_space<semaphore_mem>>) src(%dma_wait3A_245 : memref<64x100xi32, #tpu.memory_space<hbm>>) dst(%arg7 : memref<64x100xi32, #tpu.memory_space<vmem>>)
      tpu.yield
    }) : () -> ()
    %dma_start3A = arith.constant 0 : i32
    %dma_start3A_1 = arith.constant 0 : i32
    %dma_start3A_2 = arith.constant 0 : i32
    %dma_start3A_3 = arith.constant 0 : i32
    %dma_start3A_4 = tpu.memref_slice %arg10[%dma_start3A_2, %dma_start3A_3] : memref<800x128xf32, #tpu.memory_space<vmem>> -> memref<100x128xf32, #tpu.memory_space<vmem>>
    %dma_start3A_5 = arith.constant 0 : i32
    %dma_start3A_6 = tpu.memref_slice %arg7[%dma_start3A, %dma_start3A_5] : memref<64x100xi32, #tpu.memory_space<vmem>> -> memref<1x100xi32, #tpu.memory_space<vmem>>
    %dma_start3A_7 = tpu.memref_squeeze %dma_start3A_6 : memref<1x100xi32, #tpu.memory_space<vmem>> -> memref<100xi32, #tpu.memory_space<vmem>>
    %dma_start3A_8 = arith.constant 0 : i32
    %dma_start3A_9 = arith.constant 0 : i32
    %dma_start3A_10 = tpu.memref_slice %arg2[%dma_start3A_8, %dma_start3A_9] : memref<100000x128xf32, #tpu.memory_space<hbm>> -> memref<100000x128xf32, #tpu.memory_space<hbm>>
    %dma_start3A_11 = tpu.memref_slice %arg12[%dma_start3A_1] : memref<8x!tpu.dma_semaphore, #tpu.memory_space<semaphore_mem>> -> memref<1x!tpu.dma_semaphore, #tpu.memory_space<semaphore_mem>>
    %dma_start3A_12 = tpu.memref_squeeze %dma_start3A_11 : memref<1x!tpu.dma_semaphore, #tpu.memory_space<semaphore_mem>> -> memref<!tpu.dma_semaphore, #tpu.memory_space<semaphore_mem>>
    tpu.enqueue_indirect_dma source(%dma_start3A_10 : memref<100000x128xf32, #tpu.memory_space<hbm>>) target(%dma_start3A_4 : memref<100x128xf32, #tpu.memory_space<vmem>>) offsets(%dma_start3A_7 : memref<100xi32, #tpu.memory_space<vmem>>) semaphore(%dma_start3A_12 : memref<!tpu.dma_semaphore, #tpu.memory_space<semaphore_mem>>)
    %dma_start3A_13 = arith.constant 1 : i32
    %dma_start3A_14 = arith.constant 1 : i32
    %dma_start3A_15 = arith.constant 100 : i32
    %dma_start3A_16 = arith.constant 0 : i32
    %dma_start3A_17 = tpu.memref_slice %arg10[%dma_start3A_15, %dma_start3A_16] : memref<800x128xf32, #tpu.memory_space<vmem>> -> memref<100x128xf32, #tpu.memory_space<vmem>>
    %dma_start3A_18 = arith.constant 0 : i32
    %dma_start3A_19 = tpu.memref_slice %arg7[%dma_start3A_13, %dma_start3A_18] : memref<64x100xi32, #tpu.memory_space<vmem>> -> memref<1x100xi32, #tpu.memory_space<vmem>>
    %dma_start3A_20 = tpu.memref_squeeze %dma_start3A_19 : memref<1x100xi32, #tpu.memory_space<vmem>> -> memref<100xi32, #tpu.memory_space<vmem>>
    %dma_start3A_21 = arith.constant 0 : i32
    %dma_start3A_22 = arith.constant 0 : i32
    %dma_start3A_23 = tpu.memref_slice %arg2[%dma_start3A_21, %dma_start3A_22] : memref<100000x128xf32, #tpu.memory_space<hbm>> -> memref<100000x128xf32, #tpu.memory_space<hbm>>
    %dma_start3A_24 = tpu.memref_slice %arg12[%dma_start3A_14] : memref<8x!tpu.dma_semaphore, #tpu.memory_space<semaphore_mem>> -> memref<1x!tpu.dma_semaphore, #tpu.memory_space<semaphore_mem>>
    %dma_start3A_25 = tpu.memref_squeeze %dma_start3A_24 : memref<1x!tpu.dma_semaphore, #tpu.memory_space<semaphore_mem>> -> memref<!tpu.dma_semaphore, #tpu.memory_space<semaphore_mem>>
    tpu.enqueue_indirect_dma source(%dma_start3A_23 : memref<100000x128xf32, #tpu.memory_space<hbm>>) target(%dma_start3A_17 : memref<100x128xf32, #tpu.memory_space<vmem>>) offsets(%dma_start3A_20 : memref<100xi32, #tpu.memory_space<vmem>>) semaphore(%dma_start3A_25 : memref<!tpu.dma_semaphore, #tpu.memory_space<semaphore_mem>>)
    %dma_start3A_26 = arith.constant 2 : i32
    %dma_start3A_27 = arith.constant 2 : i32
    %dma_start3A_28 = arith.constant 200 : i32
    %dma_start3A_29 = arith.constant 0 : i32
    %dma_start3A_30 = tpu.memref_slice %arg10[%dma_start3A_28, %dma_start3A_29] : memref<800x128xf32, #tpu.memory_space<vmem>> -> memref<100x128xf32, #tpu.memory_space<vmem>>
    %dma_start3A_31 = arith.constant 0 : i32
    %dma_start3A_32 = tpu.memref_slice %arg7[%dma_start3A_26, %dma_start3A_31] : memref<64x100xi32, #tpu.memory_space<vmem>> -> memref<1x100xi32, #tpu.memory_space<vmem>>
    %dma_start3A_33 = tpu.memref_squeeze %dma_start3A_32 : memref<1x100xi32, #tpu.memory_space<vmem>> -> memref<100xi32, #tpu.memory_space<vmem>>
    %dma_start3A_34 = arith.constant 0 : i32
    %dma_start3A_35 = arith.constant 0 : i32
    %dma_start3A_36 = tpu.memref_slice %arg2[%dma_start3A_34, %dma_start3A_35] : memref<100000x128xf32, #tpu.memory_space<hbm>> -> memref<100000x128xf32, #tpu.memory_space<hbm>>
    %dma_start3A_37 = tpu.memref_slice %arg12[%dma_start3A_27] : memref<8x!tpu.dma_semaphore, #tpu.memory_space<semaphore_mem>> -> memref<1x!tpu.dma_semaphore, #tpu.memory_space<semaphore_mem>>
    %dma_start3A_38 = tpu.memref_squeeze %dma_start3A_37 : memref<1x!tpu.dma_semaphore, #tpu.memory_space<semaphore_mem>> -> memref<!tpu.dma_semaphore, #tpu.memory_space<semaphore_mem>>
    tpu.enqueue_indirect_dma source(%dma_start3A_36 : memref<100000x128xf32, #tpu.memory_space<hbm>>) target(%dma_start3A_30 : memref<100x128xf32, #tpu.memory_space<vmem>>) offsets(%dma_start3A_33 : memref<100xi32, #tpu.memory_space<vmem>>) semaphore(%dma_start3A_38 : memref<!tpu.dma_semaphore, #tpu.memory_space<semaphore_mem>>)
    %dma_start3A_39 = arith.constant 3 : i32
    %dma_start3A_40 = arith.constant 3 : i32
    %dma_start3A_41 = arith.constant 300 : i32
    %dma_start3A_42 = arith.constant 0 : i32
    %dma_start3A_43 = tpu.memref_slice %arg10[%dma_start3A_41, %dma_start3A_42] : memref<800x128xf32, #tpu.memory_space<vmem>> -> memref<100x128xf32, #tpu.memory_space<vmem>>
    %dma_start3A_44 = arith.constant 0 : i32
    %dma_start3A_45 = tpu.memref_slice %arg7[%dma_start3A_39, %dma_start3A_44] : memref<64x100xi32, #tpu.memory_space<vmem>> -> memref<1x100xi32, #tpu.memory_space<vmem>>
    %dma_start3A_46 = tpu.memref_squeeze %dma_start3A_45 : memref<1x100xi32, #tpu.memory_space<vmem>> -> memref<100xi32, #tpu.memory_space<vmem>>
    %dma_start3A_47 = arith.constant 0 : i32
    %dma_start3A_48 = arith.constant 0 : i32
    %dma_start3A_49 = tpu.memref_slice %arg2[%dma_start3A_47, %dma_start3A_48] : memref<100000x128xf32, #tpu.memory_space<hbm>> -> memref<100000x128xf32, #tpu.memory_space<hbm>>
    %dma_start3A_50 = tpu.memref_slice %arg12[%dma_start3A_40] : memref<8x!tpu.dma_semaphore, #tpu.memory_space<semaphore_mem>> -> memref<1x!tpu.dma_semaphore, #tpu.memory_space<semaphore_mem>>
    %dma_start3A_51 = tpu.memref_squeeze %dma_start3A_50 : memref<1x!tpu.dma_semaphore, #tpu.memory_space<semaphore_mem>> -> memref<!tpu.dma_semaphore, #tpu.memory_space<semaphore_mem>>
    tpu.enqueue_indirect_dma source(%dma_start3A_49 : memref<100000x128xf32, #tpu.memory_space<hbm>>) target(%dma_start3A_43 : memref<100x128xf32, #tpu.memory_space<vmem>>) offsets(%dma_start3A_46 : memref<100xi32, #tpu.memory_space<vmem>>) semaphore(%dma_start3A_51 : memref<!tpu.dma_semaphore, #tpu.memory_space<semaphore_mem>>)
    %dma_start3A_52 = arith.constant 4 : i32
    %dma_start3A_53 = arith.constant 4 : i32
    %dma_start3A_54 = arith.constant 400 : i32
    %dma_start3A_55 = arith.constant 0 : i32
    %dma_start3A_56 = tpu.memref_slice %arg10[%dma_start3A_54, %dma_start3A_55] : memref<800x128xf32, #tpu.memory_space<vmem>> -> memref<100x128xf32, #tpu.memory_space<vmem>>
    %dma_start3A_57 = arith.constant 0 : i32
    %dma_start3A_58 = tpu.memref_slice %arg7[%dma_start3A_52, %dma_start3A_57] : memref<64x100xi32, #tpu.memory_space<vmem>> -> memref<1x100xi32, #tpu.memory_space<vmem>>
    %dma_start3A_59 = tpu.memref_squeeze %dma_start3A_58 : memref<1x100xi32, #tpu.memory_space<vmem>> -> memref<100xi32, #tpu.memory_space<vmem>>
    %dma_start3A_60 = arith.constant 0 : i32
    %dma_start3A_61 = arith.constant 0 : i32
    %dma_start3A_62 = tpu.memref_slice %arg2[%dma_start3A_60, %dma_start3A_61] : memref<100000x128xf32, #tpu.memory_space<hbm>> -> memref<100000x128xf32, #tpu.memory_space<hbm>>
    %dma_start3A_63 = tpu.memref_slice %arg12[%dma_start3A_53] : memref<8x!tpu.dma_semaphore, #tpu.memory_space<semaphore_mem>> -> memref<1x!tpu.dma_semaphore, #tpu.memory_space<semaphore_mem>>
    %dma_start3A_64 = tpu.memref_squeeze %dma_start3A_63 : memref<1x!tpu.dma_semaphore, #tpu.memory_space<semaphore_mem>> -> memref<!tpu.dma_semaphore, #tpu.memory_space<semaphore_mem>>
    tpu.enqueue_indirect_dma source(%dma_start3A_62 : memref<100000x128xf32, #tpu.memory_space<hbm>>) target(%dma_start3A_56 : memref<100x128xf32, #tpu.memory_space<vmem>>) offsets(%dma_start3A_59 : memref<100xi32, #tpu.memory_space<vmem>>) semaphore(%dma_start3A_64 : memref<!tpu.dma_semaphore, #tpu.memory_space<semaphore_mem>>)
    %dma_start3A_65 = arith.constant 5 : i32
    %dma_start3A_66 = arith.constant 5 : i32
    %dma_start3A_67 = arith.constant 500 : i32
    %dma_start3A_68 = arith.constant 0 : i32
    %dma_start3A_69 = tpu.memref_slice %arg10[%dma_start3A_67, %dma_start3A_68] : memref<800x128xf32, #tpu.memory_space<vmem>> -> memref<100x128xf32, #tpu.memory_space<vmem>>
    %dma_start3A_70 = arith.constant 0 : i32
    %dma_start3A_71 = tpu.memref_slice %arg7[%dma_start3A_65, %dma_start3A_70] : memref<64x100xi32, #tpu.memory_space<vmem>> -> memref<1x100xi32, #tpu.memory_space<vmem>>
    %dma_start3A_72 = tpu.memref_squeeze %dma_start3A_71 : memref<1x100xi32, #tpu.memory_space<vmem>> -> memref<100xi32, #tpu.memory_space<vmem>>
    %dma_start3A_73 = arith.constant 0 : i32
    %dma_start3A_74 = arith.constant 0 : i32
    %dma_start3A_75 = tpu.memref_slice %arg2[%dma_start3A_73, %dma_start3A_74] : memref<100000x128xf32, #tpu.memory_space<hbm>> -> memref<100000x128xf32, #tpu.memory_space<hbm>>
    %dma_start3A_76 = tpu.memref_slice %arg12[%dma_start3A_66] : memref<8x!tpu.dma_semaphore, #tpu.memory_space<semaphore_mem>> -> memref<1x!tpu.dma_semaphore, #tpu.memory_space<semaphore_mem>>
    %dma_start3A_77 = tpu.memref_squeeze %dma_start3A_76 : memref<1x!tpu.dma_semaphore, #tpu.memory_space<semaphore_mem>> -> memref<!tpu.dma_semaphore, #tpu.memory_space<semaphore_mem>>
    tpu.enqueue_indirect_dma source(%dma_start3A_75 : memref<100000x128xf32, #tpu.memory_space<hbm>>) target(%dma_start3A_69 : memref<100x128xf32, #tpu.memory_space<vmem>>) offsets(%dma_start3A_72 : memref<100xi32, #tpu.memory_space<vmem>>) semaphore(%dma_start3A_77 : memref<!tpu.dma_semaphore, #tpu.memory_space<semaphore_mem>>)
    %dma_start3A_78 = arith.constant 6 : i32
    %dma_start3A_79 = arith.constant 6 : i32
    %dma_start3A_80 = arith.constant 600 : i32
    %dma_start3A_81 = arith.constant 0 : i32
    %dma_start3A_82 = tpu.memref_slice %arg10[%dma_start3A_80, %dma_start3A_81] : memref<800x128xf32, #tpu.memory_space<vmem>> -> memref<100x128xf32, #tpu.memory_space<vmem>>
    %dma_start3A_83 = arith.constant 0 : i32
    %dma_start3A_84 = tpu.memref_slice %arg7[%dma_start3A_78, %dma_start3A_83] : memref<64x100xi32, #tpu.memory_space<vmem>> -> memref<1x100xi32, #tpu.memory_space<vmem>>
    %dma_start3A_85 = tpu.memref_squeeze %dma_start3A_84 : memref<1x100xi32, #tpu.memory_space<vmem>> -> memref<100xi32, #tpu.memory_space<vmem>>
    %dma_start3A_86 = arith.constant 0 : i32
    %dma_start3A_87 = arith.constant 0 : i32
    %dma_start3A_88 = tpu.memref_slice %arg2[%dma_start3A_86, %dma_start3A_87] : memref<100000x128xf32, #tpu.memory_space<hbm>> -> memref<100000x128xf32, #tpu.memory_space<hbm>>
    %dma_start3A_89 = tpu.memref_slice %arg12[%dma_start3A_79] : memref<8x!tpu.dma_semaphore, #tpu.memory_space<semaphore_mem>> -> memref<1x!tpu.dma_semaphore, #tpu.memory_space<semaphore_mem>>
    %dma_start3A_90 = tpu.memref_squeeze %dma_start3A_89 : memref<1x!tpu.dma_semaphore, #tpu.memory_space<semaphore_mem>> -> memref<!tpu.dma_semaphore, #tpu.memory_space<semaphore_mem>>
    tpu.enqueue_indirect_dma source(%dma_start3A_88 : memref<100000x128xf32, #tpu.memory_space<hbm>>) target(%dma_start3A_82 : memref<100x128xf32, #tpu.memory_space<vmem>>) offsets(%dma_start3A_85 : memref<100xi32, #tpu.memory_space<vmem>>) semaphore(%dma_start3A_90 : memref<!tpu.dma_semaphore, #tpu.memory_space<semaphore_mem>>)
    "tpu.region"() ({
      %run_scoped3A = tpu.sem_alloc : memref<!tpu.dma_semaphore, #tpu.memory_space<semaphore_mem>>
      %dma_start3A_230 = arith.constant 0 : i32
      %dma_start3A_231 = tpu.memref_slice %arg4[%add3A, %dma_start3A_230] : memref<32x8192xf32, #tpu.memory_space<hbm>> -> memref<1x8192xf32, #tpu.memory_space<hbm>>
      %dma_start3A_232 = tpu.memref_squeeze %dma_start3A_231 : memref<1x8192xf32, #tpu.memory_space<hbm>> -> memref<8192xf32, #tpu.memory_space<hbm>>
      %dma_start3A_233 = arith.constant 0 : i32
      %dma_start3A_234 = tpu.memref_slice %arg4[%add3A, %dma_start3A_233] : memref<32x8192xf32, #tpu.memory_space<hbm>> -> memref<1x8192xf32, #tpu.memory_space<hbm>>
      %dma_start3A_235 = tpu.memref_squeeze %dma_start3A_234 : memref<1x8192xf32, #tpu.memory_space<hbm>> -> memref<8192xf32, #tpu.memory_space<hbm>>
      tpu.enqueue_dma source(%dma_start3A_235 : memref<8192xf32, #tpu.memory_space<hbm>>) target(%arg8 : memref<8192xf32, #tpu.memory_space<vmem>>) target_semaphore(%run_scoped3A : memref<!tpu.dma_semaphore, #tpu.memory_space<semaphore_mem>>)
      %dma_wait3A_236 = arith.constant 0 : i32
      %dma_wait3A_237 = tpu.memref_slice %arg4[%add3A, %dma_wait3A_236] : memref<32x8192xf32, #tpu.memory_space<hbm>> -> memref<1x8192xf32, #tpu.memory_space<hbm>>
      %dma_wait3A_238 = tpu.memref_squeeze %dma_wait3A_237 : memref<1x8192xf32, #tpu.memory_space<hbm>> -> memref<8192xf32, #tpu.memory_space<hbm>>
      %dma_wait3A_239 = arith.constant 0 : i32
      %dma_wait3A_240 = tpu.memref_slice %arg4[%add3A, %dma_wait3A_239] : memref<32x8192xf32, #tpu.memory_space<hbm>> -> memref<1x8192xf32, #tpu.memory_space<hbm>>
      %dma_wait3A_241 = tpu.memref_squeeze %dma_wait3A_240 : memref<1x8192xf32, #tpu.memory_space<hbm>> -> memref<8192xf32, #tpu.memory_space<hbm>>
      tpu.wait_dma2 semaphore(%run_scoped3A : memref<!tpu.dma_semaphore, #tpu.memory_space<semaphore_mem>>) src(%dma_wait3A_241 : memref<8192xf32, #tpu.memory_space<hbm>>) dst(%arg8 : memref<8192xf32, #tpu.memory_space<vmem>>)
      tpu.yield
    }) : () -> ()
    "tpu.region"() ({
      %run_scoped3A = tpu.sem_alloc : memref<!tpu.dma_semaphore, #tpu.memory_space<semaphore_mem>>
      tpu.enqueue_dma source(%arg5 : memref<128xf32, #tpu.memory_space<hbm>>) target(%arg9 : memref<128xf32, #tpu.memory_space<vmem>>) target_semaphore(%run_scoped3A : memref<!tpu.dma_semaphore, #tpu.memory_space<semaphore_mem>>)
      tpu.wait_dma2 semaphore(%run_scoped3A : memref<!tpu.dma_semaphore, #tpu.memory_space<semaphore_mem>>) src(%arg5 : memref<128xf32, #tpu.memory_space<hbm>>) dst(%arg9 : memref<128xf32, #tpu.memory_space<vmem>>)
      tpu.yield
    }) : () -> ()
    %scan3A = arith.constant 0 : i32
    %scan3A_91 = arith.constant 64 : i32
    %scan3A_92 = arith.addi %scan3A, %scan3A_91 : i32
    %scan3A_93 = arith.constant 1 : i32
    scf.for %scan3A_230 = %scan3A to %scan3A_92 step %scan3A_93  : i32 {
      %rem3A = arith.constant 8 : i32
      %rem3A_231 = arith.remsi %scan3A_230, %rem3A : i32
      %add3A_232 = arith.constant 8 : i32
      %add3A_233 = arith.addi %scan3A_230, %add3A_232 : i32
      %sub3A = arith.constant 1 : i32
      %sub3A_234 = arith.subi %add3A_233, %sub3A : i32
      %rem3A_235 = arith.constant 8 : i32
      %rem3A_236 = arith.remsi %sub3A_234, %rem3A_235 : i32
      %lt3A = arith.constant 64 : i32
      %lt3A_237 = arith.cmpi slt, %sub3A_234, %lt3A : i32
      %convert_element_type3A = arith.extui %lt3A_237 : i1 to i32
      %cond3A = arith.constant 0 : i32
      %cond3A_238 = arith.cmpi ne, %convert_element_type3A, %cond3A : i32
      scf.if %cond3A_238 {
        %mul3A_1071 = arith.constant 100 : i32
        %mul3A_1072 = arith.muli %rem3A_236, %mul3A_1071 : i32
        %dma_start3A_1073 = arith.constant 0 : i32
        %dma_start3A_1074 = tpu.memref_slice %arg10[%mul3A_1072, %dma_start3A_1073] : memref<800x128xf32, #tpu.memory_space<vmem>> -> memref<100x128xf32, #tpu.memory_space<vmem>>
        %dma_start3A_1075 = arith.constant 0 : i32
        %dma_start3A_1076 = tpu.memref_slice %arg7[%sub3A_234, %dma_start3A_1075] : memref<64x100xi32, #tpu.memory_space<vmem>> -> memref<1x100xi32, #tpu.memory_space<vmem>>
        %dma_start3A_1077 = tpu.memref_squeeze %dma_start3A_1076 : memref<1x100xi32, #tpu.memory_space<vmem>> -> memref<100xi32, #tpu.memory_space<vmem>>
        %dma_start3A_1078 = arith.constant 0 : i32
        %dma_start3A_1079 = arith.constant 0 : i32
        %dma_start3A_1080 = tpu.memref_slice %arg2[%dma_start3A_1078, %dma_start3A_1079] : memref<100000x128xf32, #tpu.memory_space<hbm>> -> memref<100000x128xf32, #tpu.memory_space<hbm>>
        %dma_start3A_1081 = tpu.memref_slice %arg12[%rem3A_236] : memref<8x!tpu.dma_semaphore, #tpu.memory_space<semaphore_mem>> -> memref<1x!tpu.dma_semaphore, #tpu.memory_space<semaphore_mem>>
        %dma_start3A_1082 = tpu.memref_squeeze %dma_start3A_1081 : memref<1x!tpu.dma_semaphore, #tpu.memory_space<semaphore_mem>> -> memref<!tpu.dma_semaphore, #tpu.memory_space<semaphore_mem>>
        tpu.enqueue_indirect_dma source(%dma_start3A_1080 : memref<100000x128xf32, #tpu.memory_space<hbm>>) target(%dma_start3A_1074 : memref<100x128xf32, #tpu.memory_space<vmem>>) offsets(%dma_start3A_1077 : memref<100xi32, #tpu.memory_space<vmem>>) semaphore(%dma_start3A_1082 : memref<!tpu.dma_semaphore, #tpu.memory_space<semaphore_mem>>)
      } else {
      }
      %mul3A_239 = arith.constant 100 : i32
      %mul3A_240 = arith.muli %rem3A_231, %mul3A_239 : i32
      %dma_wait3A_241 = arith.constant 0 : i32
      %dma_wait3A_242 = tpu.memref_slice %arg10[%mul3A_240, %dma_wait3A_241] : memref<800x128xf32, #tpu.memory_space<vmem>> -> memref<100x128xf32, #tpu.memory_space<vmem>>
      %dma_wait3A_243 = arith.constant 0 : i32
      %dma_wait3A_244 = tpu.memref_slice %arg7[%scan3A_230, %dma_wait3A_243] : memref<64x100xi32, #tpu.memory_space<vmem>> -> memref<1x100xi32, #tpu.memory_space<vmem>>
      %dma_wait3A_245 = tpu.memref_squeeze %dma_wait3A_244 : memref<1x100xi32, #tpu.memory_space<vmem>> -> memref<100xi32, #tpu.memory_space<vmem>>
      %dma_wait3A_246 = arith.constant 0 : i32
      %dma_wait3A_247 = arith.constant 0 : i32
      %dma_wait3A_248 = tpu.memref_slice %arg2[%dma_wait3A_246, %dma_wait3A_247] : memref<100000x128xf32, #tpu.memory_space<hbm>> -> memref<100000x128xf32, #tpu.memory_space<hbm>>
      %dma_wait3A_249 = tpu.memref_slice %arg12[%rem3A_231] : memref<8x!tpu.dma_semaphore, #tpu.memory_space<semaphore_mem>> -> memref<1x!tpu.dma_semaphore, #tpu.memory_space<semaphore_mem>>
      %dma_wait3A_250 = tpu.memref_squeeze %dma_wait3A_249 : memref<1x!tpu.dma_semaphore, #tpu.memory_space<semaphore_mem>> -> memref<!tpu.dma_semaphore, #tpu.memory_space<semaphore_mem>>
      tpu.wait_indirect_dma semaphore(%dma_wait3A_250 : memref<!tpu.dma_semaphore, #tpu.memory_space<semaphore_mem>>) src(%dma_wait3A_248 : memref<100000x128xf32, #tpu.memory_space<hbm>>) dst(%dma_wait3A_242 : memref<100x128xf32, #tpu.memory_space<vmem>>)
      %ge3A = arith.constant 8 : i32
      %ge3A_251 = arith.cmpi sge, %scan3A_230, %ge3A : i32
      %convert_element_type3A_252 = arith.extui %ge3A_251 : i1 to i32
      %cond3A_253 = arith.constant 0 : i32
      %cond3A_254 = arith.cmpi ne, %convert_element_type3A_252, %cond3A_253 : i32
      scf.if %cond3A_254 {
        %mul3A_1071 = arith.constant 2 : i32
        %mul3A_1072 = arith.muli %rem3A_231, %mul3A_1071 : i32
        %mul3A_1073 = arith.constant 128 : i32
        %mul3A_1074 = arith.muli %add3A, %mul3A_1073 : i32
        %mul3A_1075 = arith.constant 2 : i32
        %mul3A_1076 = arith.muli %mul3A_1075, %scan3A_230 : i32
        %add3A_1077 = arith.addi %mul3A_1074, %mul3A_1076 : i32
        %dma_wait3A_1078 = arith.constant 0 : i32
        %dma_wait3A_1079 = tpu.memref_slice %arg11[%mul3A_1072, %dma_wait3A_1078] : memref<16x128xf32, #tpu.memory_space<vmem>> -> memref<2x128xf32, #tpu.memory_space<vmem>>
        %dma_wait3A_1080 = arith.constant 0 : i32
        %dma_wait3A_1081 = tpu.memref_slice %arg6[%add3A_1077, %dma_wait3A_1080] : memref<4096x128xf32, #tpu.memory_space<hbm>> -> memref<2x128xf32, #tpu.memory_space<hbm>>
        %dma_wait3A_1082 = tpu.memref_slice %arg13[%rem3A_231] : memref<8x!tpu.dma_semaphore, #tpu.memory_space<semaphore_mem>> -> memref<1x!tpu.dma_semaphore, #tpu.memory_space<semaphore_mem>>
        %dma_wait3A_1083 = tpu.memref_squeeze %dma_wait3A_1082 : memref<1x!tpu.dma_semaphore, #tpu.memory_space<semaphore_mem>> -> memref<!tpu.dma_semaphore, #tpu.memory_space<semaphore_mem>>
        %dma_wait3A_1084 = arith.constant 0 : i32
        %dma_wait3A_1085 = tpu.memref_slice %arg6[%add3A_1077, %dma_wait3A_1084] : memref<4096x128xf32, #tpu.memory_space<hbm>> -> memref<2x128xf32, #tpu.memory_space<hbm>>
        %dma_wait3A_1086 = arith.constant 0 : i32
        %dma_wait3A_1087 = tpu.memref_slice %arg11[%mul3A_1072, %dma_wait3A_1086] : memref<16x128xf32, #tpu.memory_space<vmem>> -> memref<2x128xf32, #tpu.memory_space<vmem>>
        tpu.wait_dma2 semaphore(%dma_wait3A_1083 : memref<!tpu.dma_semaphore, #tpu.memory_space<semaphore_mem>>) src(%dma_wait3A_1087 : memref<2x128xf32, #tpu.memory_space<vmem>>) dst(%dma_wait3A_1085 : memref<2x128xf32, #tpu.memory_space<hbm>>)
      } else {
      }
      %mul3A_255 = arith.constant 2 : i32
      %mul3A_256 = arith.muli %mul3A_255, %scan3A_230 : i32
      %add3A_257 = arith.constant 0 : i32
      %add3A_258 = arith.addi %mul3A_256, %add3A_257 : i32
      %get3A = arith.constant 0 : index
      %get3A_259 = tpu.vector_load %arg9[%get3A] {strides = array<i32>} : memref<128xf32, #tpu.memory_space<vmem>>, vector<16xf32>,
      %get3A_260 = vector.shape_cast %get3A_259 : vector<16xf32> to vector<16xf32>
      %get3A_261 = arith.constant 16 : index
      %get3A_262 = tpu.vector_load %arg9[%get3A_261] {strides = array<i32>} : memref<128xf32, #tpu.memory_space<vmem>>, vector<16xf32>,
      %get3A_263 = vector.shape_cast %get3A_262 : vector<16xf32> to vector<16xf32>
      %get3A_264 = arith.constant 32 : index
      %get3A_265 = tpu.vector_load %arg9[%get3A_264] {strides = array<i32>} : memref<128xf32, #tpu.memory_space<vmem>>, vector<16xf32>,
      %get3A_266 = vector.shape_cast %get3A_265 : vector<16xf32> to vector<16xf32>
      %get3A_267 = arith.constant 48 : index
      %get3A_268 = tpu.vector_load %arg9[%get3A_267] {strides = array<i32>} : memref<128xf32, #tpu.memory_space<vmem>>, vector<16xf32>,
      %get3A_269 = vector.shape_cast %get3A_268 : vector<16xf32> to vector<16xf32>
      %get3A_270 = arith.constant 64 : index
      %get3A_271 = tpu.vector_load %arg9[%get3A_270] {strides = array<i32>} : memref<128xf32, #tpu.memory_space<vmem>>, vector<16xf32>,
      %get3A_272 = vector.shape_cast %get3A_271 : vector<16xf32> to vector<16xf32>
      %get3A_273 = arith.constant 80 : index
      %get3A_274 = tpu.vector_load %arg9[%get3A_273] {strides = array<i32>} : memref<128xf32, #tpu.memory_space<vmem>>, vector<16xf32>,
      %get3A_275 = vector.shape_cast %get3A_274 : vector<16xf32> to vector<16xf32>
      %get3A_276 = arith.constant 96 : index
      %get3A_277 = tpu.vector_load %arg9[%get3A_276] {strides = array<i32>} : memref<128xf32, #tpu.memory_space<vmem>>, vector<16xf32>,
      %get3A_278 = vector.shape_cast %get3A_277 : vector<16xf32> to vector<16xf32>
      %get3A_279 = arith.constant 112 : index
      %get3A_280 = tpu.vector_load %arg9[%get3A_279] {strides = array<i32>} : memref<128xf32, #tpu.memory_space<vmem>>, vector<16xf32>,
      %get3A_281 = vector.shape_cast %get3A_280 : vector<16xf32> to vector<16xf32>
      %mul3A_282 = arith.constant 64 : i32
      %mul3A_283 = arith.muli %add3A_258, %mul3A_282 : i32
      %add3A_284 = arith.constant 0 : i32
      %add3A_285 = arith.addi %mul3A_283, %add3A_284 : i32
      %get3A_286 = arith.index_cast %add3A_285 : i32 to index
      %get3A_287 = tpu.vector_load %arg8[%get3A_286] {strides = array<i32>} : memref<8192xf32, #tpu.memory_space<vmem>>, vector<16xf32>,
      %get3A_288 = vector.shape_cast %get3A_287 : vector<16xf32> to vector<16xf32>
      %mul3A_289 = arith.constant 100 : i32
      %mul3A_290 = arith.muli %rem3A_231, %mul3A_289 : i32
      %add3A_291 = arith.constant 0 : i32
      %add3A_292 = arith.addi %mul3A_290, %add3A_291 : i32
      %add3A_293 = arith.constant 0 : i32
      %add3A_294 = arith.addi %add3A_292, %add3A_293 : i32
      %parallel_loop3A = arith.constant 0 : i32
      %parallel_loop3A_295 = arith.constant 16 : i32
      %parallel_loop3A_296 = arith.constant 1 : i32
      %parallel_loop3A_297:8 = scf.for %parallel_loop3A_1071 = %parallel_loop3A to %parallel_loop3A_295 step %parallel_loop3A_296 iter_args(%parallel_loop3A_1072 = %get3A_260, %parallel_loop3A_1073 = %get3A_263, %parallel_loop3A_1074 = %get3A_266, %parallel_loop3A_1075 = %get3A_269, %parallel_loop3A_1076 = %get3A_272, %parallel_loop3A_1077 = %get3A_275, %parallel_loop3A_1078 = %get3A_278, %parallel_loop3A_1079 = %get3A_281) -> (vector<16xf32>, vector<16xf32>, vector<16xf32>, vector<16xf32>, vector<16xf32>, vector<16xf32>, vector<16xf32>, vector<16xf32>)  : i32 {
        %parallel_loop3A_1080 = vector.broadcast %parallel_loop3A_1071 : i32 to vector<16x1xi32>
        %parallel_loop3A_1081 = vector.shape_cast %parallel_loop3A_1080 : vector<16x1xi32> to vector<16xi32>
        %parallel_loop3A_1082 = tpu.dynamic_gather %get3A_288[%parallel_loop3A_1081] in [0] : vector<16xf32>, vector<16xi32> -> vector<16xf32>
        %parallel_loop3A_1083 = arith.addi %add3A_294, %parallel_loop3A_1071 : i32
        %parallel_loop3A_1084 = arith.index_cast %parallel_loop3A_1083 : i32 to index
        %parallel_loop3A_1085 = arith.constant 0 : index
        %parallel_loop3A_1086 = tpu.vector_load %arg10[%parallel_loop3A_1084, %parallel_loop3A_1085] {strides = array<i32>} : memref<800x128xf32, #tpu.memory_space<vmem>>, vector<1x16xf32>,
        %parallel_loop3A_1087 = vector.shape_cast %parallel_loop3A_1086 : vector<1x16xf32> to vector<16xf32>
        %parallel_loop3A_1088 = arith.mulf %parallel_loop3A_1082, %parallel_loop3A_1087 : vector<16xf32>
        %parallel_loop3A_1089 = arith.addf %parallel_loop3A_1072, %parallel_loop3A_1088 : vector<16xf32>
        %parallel_loop3A_1090 = arith.index_cast %parallel_loop3A_1083 : i32 to index
        %parallel_loop3A_1091 = arith.constant 16 : index
        %parallel_loop3A_1092 = tpu.vector_load %arg10[%parallel_loop3A_1090, %parallel_loop3A_1091] {strides = array<i32>} : memref<800x128xf32, #tpu.memory_space<vmem>>, vector<1x16xf32>,
        %parallel_loop3A_1093 = vector.shape_cast %parallel_loop3A_1092 : vector<1x16xf32> to vector<16xf32>
        %parallel_loop3A_1094 = arith.mulf %parallel_loop3A_1082, %parallel_loop3A_1093 : vector<16xf32>
        %parallel_loop3A_1095 = arith.addf %parallel_loop3A_1073, %parallel_loop3A_1094 : vector<16xf32>
        %parallel_loop3A_1096 = arith.index_cast %parallel_loop3A_1083 : i32 to index
        %parallel_loop3A_1097 = arith.constant 32 : index
        %parallel_loop3A_1098 = tpu.vector_load %arg10[%parallel_loop3A_1096, %parallel_loop3A_1097] {strides = array<i32>} : memref<800x128xf32, #tpu.memory_space<vmem>>, vector<1x16xf32>,
        %parallel_loop3A_1099 = vector.shape_cast %parallel_loop3A_1098 : vector<1x16xf32> to vector<16xf32>
        %parallel_loop3A_1100 = arith.mulf %parallel_loop3A_1082, %parallel_loop3A_1099 : vector<16xf32>
        %parallel_loop3A_1101 = arith.addf %parallel_loop3A_1074, %parallel_loop3A_1100 : vector<16xf32>
        %parallel_loop3A_1102 = arith.index_cast %parallel_loop3A_1083 : i32 to index
        %parallel_loop3A_1103 = arith.constant 48 : index
        %parallel_loop3A_1104 = tpu.vector_load %arg10[%parallel_loop3A_1102, %parallel_loop3A_1103] {strides = array<i32>} : memref<800x128xf32, #tpu.memory_space<vmem>>, vector<1x16xf32>,
        %parallel_loop3A_1105 = vector.shape_cast %parallel_loop3A_1104 : vector<1x16xf32> to vector<16xf32>
        %parallel_loop3A_1106 = arith.mulf %parallel_loop3A_1082, %parallel_loop3A_1105 : vector<16xf32>
        %parallel_loop3A_1107 = arith.addf %parallel_loop3A_1075, %parallel_loop3A_1106 : vector<16xf32>
        %parallel_loop3A_1108 = arith.index_cast %parallel_loop3A_1083 : i32 to index
        %parallel_loop3A_1109 = arith.constant 64 : index
        %parallel_loop3A_1110 = tpu.vector_load %arg10[%parallel_loop3A_1108, %parallel_loop3A_1109] {strides = array<i32>} : memref<800x128xf32, #tpu.memory_space<vmem>>, vector<1x16xf32>,
        %parallel_loop3A_1111 = vector.shape_cast %parallel_loop3A_1110 : vector<1x16xf32> to vector<16xf32>
        %parallel_loop3A_1112 = arith.mulf %parallel_loop3A_1082, %parallel_loop3A_1111 : vector<16xf32>
        %parallel_loop3A_1113 = arith.addf %parallel_loop3A_1076, %parallel_loop3A_1112 : vector<16xf32>
        %parallel_loop3A_1114 = arith.index_cast %parallel_loop3A_1083 : i32 to index
        %parallel_loop3A_1115 = arith.constant 80 : index
        %parallel_loop3A_1116 = tpu.vector_load %arg10[%parallel_loop3A_1114, %parallel_loop3A_1115] {strides = array<i32>} : memref<800x128xf32, #tpu.memory_space<vmem>>, vector<1x16xf32>,
        %parallel_loop3A_1117 = vector.shape_cast %parallel_loop3A_1116 : vector<1x16xf32> to vector<16xf32>
        %parallel_loop3A_1118 = arith.mulf %parallel_loop3A_1082, %parallel_loop3A_1117 : vector<16xf32>
        %parallel_loop3A_1119 = arith.addf %parallel_loop3A_1077, %parallel_loop3A_1118 : vector<16xf32>
        %parallel_loop3A_1120 = arith.index_cast %parallel_loop3A_1083 : i32 to index
        %parallel_loop3A_1121 = arith.constant 96 : index
        %parallel_loop3A_1122 = tpu.vector_load %arg10[%parallel_loop3A_1120, %parallel_loop3A_1121] {strides = array<i32>} : memref<800x128xf32, #tpu.memory_space<vmem>>, vector<1x16xf32>,
        %parallel_loop3A_1123 = vector.shape_cast %parallel_loop3A_1122 : vector<1x16xf32> to vector<16xf32>
        %parallel_loop3A_1124 = arith.mulf %parallel_loop3A_1082, %parallel_loop3A_1123 : vector<16xf32>
        %parallel_loop3A_1125 = arith.addf %parallel_loop3A_1078, %parallel_loop3A_1124 : vector<16xf32>
        %parallel_loop3A_1126 = arith.index_cast %parallel_loop3A_1083 : i32 to index
        %parallel_loop3A_1127 = arith.constant 112 : index
        %parallel_loop3A_1128 = tpu.vector_load %arg10[%parallel_loop3A_1126, %parallel_loop3A_1127] {strides = array<i32>} : memref<800x128xf32, #tpu.memory_space<vmem>>, vector<1x16xf32>,
        %parallel_loop3A_1129 = vector.shape_cast %parallel_loop3A_1128 : vector<1x16xf32> to vector<16xf32>
        %parallel_loop3A_1130 = arith.mulf %parallel_loop3A_1082, %parallel_loop3A_1129 : vector<16xf32>
        %parallel_loop3A_1131 = arith.addf %parallel_loop3A_1079, %parallel_loop3A_1130 : vector<16xf32>
        scf.yield %parallel_loop3A_1089, %parallel_loop3A_1095, %parallel_loop3A_1101, %parallel_loop3A_1107, %parallel_loop3A_1113, %parallel_loop3A_1119, %parallel_loop3A_1125, %parallel_loop3A_1131 : vector<16xf32>, vector<16xf32>, vector<16xf32>, vector<16xf32>, vector<16xf32>, vector<16xf32>, vector<16xf32>, vector<16xf32>
      } {sc.loop_unroll_factor = 4 : i64, sc.parallel_access}
      %mul3A_298 = arith.constant 64 : i32
      %mul3A_299 = arith.muli %add3A_258, %mul3A_298 : i32
      %add3A_300 = arith.constant 16 : i32
      %add3A_301 = arith.addi %mul3A_299, %add3A_300 : i32
      %get3A_302 = arith.index_cast %add3A_301 : i32 to index
      %get3A_303 = tpu.vector_load %arg8[%get3A_302] {strides = array<i32>} : memref<8192xf32, #tpu.memory_space<vmem>>, vector<16xf32>,
      %get3A_304 = vector.shape_cast %get3A_303 : vector<16xf32> to vector<16xf32>
      %mul3A_305 = arith.constant 100 : i32
      %mul3A_306 = arith.muli %rem3A_231, %mul3A_305 : i32
      %add3A_307 = arith.constant 0 : i32
      %add3A_308 = arith.addi %mul3A_306, %add3A_307 : i32
      %add3A_309 = arith.constant 16 : i32
      %add3A_310 = arith.addi %add3A_308, %add3A_309 : i32
      %parallel_loop3A_311 = arith.constant 0 : i32
      %parallel_loop3A_312 = arith.constant 16 : i32
      %parallel_loop3A_313 = arith.constant 1 : i32
      %parallel_loop3A_314:8 = scf.for %parallel_loop3A_1071 = %parallel_loop3A_311 to %parallel_loop3A_312 step %parallel_loop3A_313 iter_args(%parallel_loop3A_1072 = %parallel_loop3A_297#0, %parallel_loop3A_1073 = %parallel_loop3A_297#1, %parallel_loop3A_1074 = %parallel_loop3A_297#2, %parallel_loop3A_1075 = %parallel_loop3A_297#3, %parallel_loop3A_1076 = %parallel_loop3A_297#4, %parallel_loop3A_1077 = %parallel_loop3A_297#5, %parallel_loop3A_1078 = %parallel_loop3A_297#6, %parallel_loop3A_1079 = %parallel_loop3A_297#7) -> (vector<16xf32>, vector<16xf32>, vector<16xf32>, vector<16xf32>, vector<16xf32>, vector<16xf32>, vector<16xf32>, vector<16xf32>)  : i32 {
        %parallel_loop3A_1080 = vector.broadcast %parallel_loop3A_1071 : i32 to vector<16x1xi32>
        %parallel_loop3A_1081 = vector.shape_cast %parallel_loop3A_1080 : vector<16x1xi32> to vector<16xi32>
        %parallel_loop3A_1082 = tpu.dynamic_gather %get3A_304[%parallel_loop3A_1081] in [0] : vector<16xf32>, vector<16xi32> -> vector<16xf32>
        %parallel_loop3A_1083 = arith.addi %add3A_310, %parallel_loop3A_1071 : i32
        %parallel_loop3A_1084 = arith.index_cast %parallel_loop3A_1083 : i32 to index
        %parallel_loop3A_1085 = arith.constant 0 : index
        %parallel_loop3A_1086 = tpu.vector_load %arg10[%parallel_loop3A_1084, %parallel_loop3A_1085] {strides = array<i32>} : memref<800x128xf32, #tpu.memory_space<vmem>>, vector<1x16xf32>,
        %parallel_loop3A_1087 = vector.shape_cast %parallel_loop3A_1086 : vector<1x16xf32> to vector<16xf32>
        %parallel_loop3A_1088 = arith.mulf %parallel_loop3A_1082, %parallel_loop3A_1087 : vector<16xf32>
        %parallel_loop3A_1089 = arith.addf %parallel_loop3A_1072, %parallel_loop3A_1088 : vector<16xf32>
        %parallel_loop3A_1090 = arith.index_cast %parallel_loop3A_1083 : i32 to index
        %parallel_loop3A_1091 = arith.constant 16 : index
        %parallel_loop3A_1092 = tpu.vector_load %arg10[%parallel_loop3A_1090, %parallel_loop3A_1091] {strides = array<i32>} : memref<800x128xf32, #tpu.memory_space<vmem>>, vector<1x16xf32>,
        %parallel_loop3A_1093 = vector.shape_cast %parallel_loop3A_1092 : vector<1x16xf32> to vector<16xf32>
        %parallel_loop3A_1094 = arith.mulf %parallel_loop3A_1082, %parallel_loop3A_1093 : vector<16xf32>
        %parallel_loop3A_1095 = arith.addf %parallel_loop3A_1073, %parallel_loop3A_1094 : vector<16xf32>
        %parallel_loop3A_1096 = arith.index_cast %parallel_loop3A_1083 : i32 to index
        %parallel_loop3A_1097 = arith.constant 32 : index
        %parallel_loop3A_1098 = tpu.vector_load %arg10[%parallel_loop3A_1096, %parallel_loop3A_1097] {strides = array<i32>} : memref<800x128xf32, #tpu.memory_space<vmem>>, vector<1x16xf32>,
        %parallel_loop3A_1099 = vector.shape_cast %parallel_loop3A_1098 : vector<1x16xf32> to vector<16xf32>
        %parallel_loop3A_1100 = arith.mulf %parallel_loop3A_1082, %parallel_loop3A_1099 : vector<16xf32>
        %parallel_loop3A_1101 = arith.addf %parallel_loop3A_1074, %parallel_loop3A_1100 : vector<16xf32>
        %parallel_loop3A_1102 = arith.index_cast %parallel_loop3A_1083 : i32 to index
        %parallel_loop3A_1103 = arith.constant 48 : index
        %parallel_loop3A_1104 = tpu.vector_load %arg10[%parallel_loop3A_1102, %parallel_loop3A_1103] {strides = array<i32>} : memref<800x128xf32, #tpu.memory_space<vmem>>, vector<1x16xf32>,
        %parallel_loop3A_1105 = vector.shape_cast %parallel_loop3A_1104 : vector<1x16xf32> to vector<16xf32>
        %parallel_loop3A_1106 = arith.mulf %parallel_loop3A_1082, %parallel_loop3A_1105 : vector<16xf32>
        %parallel_loop3A_1107 = arith.addf %parallel_loop3A_1075, %parallel_loop3A_1106 : vector<16xf32>
        %parallel_loop3A_1108 = arith.index_cast %parallel_loop3A_1083 : i32 to index
        %parallel_loop3A_1109 = arith.constant 64 : index
        %parallel_loop3A_1110 = tpu.vector_load %arg10[%parallel_loop3A_1108, %parallel_loop3A_1109] {strides = array<i32>} : memref<800x128xf32, #tpu.memory_space<vmem>>, vector<1x16xf32>,
        %parallel_loop3A_1111 = vector.shape_cast %parallel_loop3A_1110 : vector<1x16xf32> to vector<16xf32>
        %parallel_loop3A_1112 = arith.mulf %parallel_loop3A_1082, %parallel_loop3A_1111 : vector<16xf32>
        %parallel_loop3A_1113 = arith.addf %parallel_loop3A_1076, %parallel_loop3A_1112 : vector<16xf32>
        %parallel_loop3A_1114 = arith.index_cast %parallel_loop3A_1083 : i32 to index
        %parallel_loop3A_1115 = arith.constant 80 : index
        %parallel_loop3A_1116 = tpu.vector_load %arg10[%parallel_loop3A_1114, %parallel_loop3A_1115] {strides = array<i32>} : memref<800x128xf32, #tpu.memory_space<vmem>>, vector<1x16xf32>,
        %parallel_loop3A_1117 = vector.shape_cast %parallel_loop3A_1116 : vector<1x16xf32> to vector<16xf32>
        %parallel_loop3A_1118 = arith.mulf %parallel_loop3A_1082, %parallel_loop3A_1117 : vector<16xf32>
        %parallel_loop3A_1119 = arith.addf %parallel_loop3A_1077, %parallel_loop3A_1118 : vector<16xf32>
        %parallel_loop3A_1120 = arith.index_cast %parallel_loop3A_1083 : i32 to index
        %parallel_loop3A_1121 = arith.constant 96 : index
        %parallel_loop3A_1122 = tpu.vector_load %arg10[%parallel_loop3A_1120, %parallel_loop3A_1121] {strides = array<i32>} : memref<800x128xf32, #tpu.memory_space<vmem>>, vector<1x16xf32>,
        %parallel_loop3A_1123 = vector.shape_cast %parallel_loop3A_1122 : vector<1x16xf32> to vector<16xf32>
        %parallel_loop3A_1124 = arith.mulf %parallel_loop3A_1082, %parallel_loop3A_1123 : vector<16xf32>
        %parallel_loop3A_1125 = arith.addf %parallel_loop3A_1078, %parallel_loop3A_1124 : vector<16xf32>
        %parallel_loop3A_1126 = arith.index_cast %parallel_loop3A_1083 : i32 to index
        %parallel_loop3A_1127 = arith.constant 112 : index
        %parallel_loop3A_1128 = tpu.vector_load %arg10[%parallel_loop3A_1126, %parallel_loop3A_1127] {strides = array<i32>} : memref<800x128xf32, #tpu.memory_space<vmem>>, vector<1x16xf32>,
        %parallel_loop3A_1129 = vector.shape_cast %parallel_loop3A_1128 : vector<1x16xf32> to vector<16xf32>
        %parallel_loop3A_1130 = arith.mulf %parallel_loop3A_1082, %parallel_loop3A_1129 : vector<16xf32>
        %parallel_loop3A_1131 = arith.addf %parallel_loop3A_1079, %parallel_loop3A_1130 : vector<16xf32>
        scf.yield %parallel_loop3A_1089, %parallel_loop3A_1095, %parallel_loop3A_1101, %parallel_loop3A_1107, %parallel_loop3A_1113, %parallel_loop3A_1119, %parallel_loop3A_1125, %parallel_loop3A_1131 : vector<16xf32>, vector<16xf32>, vector<16xf32>, vector<16xf32>, vector<16xf32>, vector<16xf32>, vector<16xf32>, vector<16xf32>
      } {sc.loop_unroll_factor = 4 : i64, sc.parallel_access}
      %mul3A_315 = arith.constant 64 : i32
      %mul3A_316 = arith.muli %add3A_258, %mul3A_315 : i32
      %add3A_317 = arith.constant 32 : i32
      %add3A_318 = arith.addi %mul3A_316, %add3A_317 : i32
      %get3A_319 = arith.index_cast %add3A_318 : i32 to index
      %get3A_320 = tpu.vector_load %arg8[%get3A_319] {strides = array<i32>} : memref<8192xf32, #tpu.memory_space<vmem>>, vector<16xf32>,
      %get3A_321 = vector.shape_cast %get3A_320 : vector<16xf32> to vector<16xf32>
      %mul3A_322 = arith.constant 100 : i32
      %mul3A_323 = arith.muli %rem3A_231, %mul3A_322 : i32
      %add3A_324 = arith.constant 0 : i32
      %add3A_325 = arith.addi %mul3A_323, %add3A_324 : i32
      %add3A_326 = arith.constant 32 : i32
      %add3A_327 = arith.addi %add3A_325, %add3A_326 : i32
      %parallel_loop3A_328 = arith.constant 0 : i32
      %parallel_loop3A_329 = arith.constant 16 : i32
      %parallel_loop3A_330 = arith.constant 1 : i32
      %parallel_loop3A_331:8 = scf.for %parallel_loop3A_1071 = %parallel_loop3A_328 to %parallel_loop3A_329 step %parallel_loop3A_330 iter_args(%parallel_loop3A_1072 = %parallel_loop3A_314#0, %parallel_loop3A_1073 = %parallel_loop3A_314#1, %parallel_loop3A_1074 = %parallel_loop3A_314#2, %parallel_loop3A_1075 = %parallel_loop3A_314#3, %parallel_loop3A_1076 = %parallel_loop3A_314#4, %parallel_loop3A_1077 = %parallel_loop3A_314#5, %parallel_loop3A_1078 = %parallel_loop3A_314#6, %parallel_loop3A_1079 = %parallel_loop3A_314#7) -> (vector<16xf32>, vector<16xf32>, vector<16xf32>, vector<16xf32>, vector<16xf32>, vector<16xf32>, vector<16xf32>, vector<16xf32>)  : i32 {
        %parallel_loop3A_1080 = vector.broadcast %parallel_loop3A_1071 : i32 to vector<16x1xi32>
        %parallel_loop3A_1081 = vector.shape_cast %parallel_loop3A_1080 : vector<16x1xi32> to vector<16xi32>
        %parallel_loop3A_1082 = tpu.dynamic_gather %get3A_321[%parallel_loop3A_1081] in [0] : vector<16xf32>, vector<16xi32> -> vector<16xf32>
        %parallel_loop3A_1083 = arith.addi %add3A_327, %parallel_loop3A_1071 : i32
        %parallel_loop3A_1084 = arith.index_cast %parallel_loop3A_1083 : i32 to index
        %parallel_loop3A_1085 = arith.constant 0 : index
        %parallel_loop3A_1086 = tpu.vector_load %arg10[%parallel_loop3A_1084, %parallel_loop3A_1085] {strides = array<i32>} : memref<800x128xf32, #tpu.memory_space<vmem>>, vector<1x16xf32>,
        %parallel_loop3A_1087 = vector.shape_cast %parallel_loop3A_1086 : vector<1x16xf32> to vector<16xf32>
        %parallel_loop3A_1088 = arith.mulf %parallel_loop3A_1082, %parallel_loop3A_1087 : vector<16xf32>
        %parallel_loop3A_1089 = arith.addf %parallel_loop3A_1072, %parallel_loop3A_1088 : vector<16xf32>
        %parallel_loop3A_1090 = arith.index_cast %parallel_loop3A_1083 : i32 to index
        %parallel_loop3A_1091 = arith.constant 16 : index
        %parallel_loop3A_1092 = tpu.vector_load %arg10[%parallel_loop3A_1090, %parallel_loop3A_1091] {strides = array<i32>} : memref<800x128xf32, #tpu.memory_space<vmem>>, vector<1x16xf32>,
        %parallel_loop3A_1093 = vector.shape_cast %parallel_loop3A_1092 : vector<1x16xf32> to vector<16xf32>
        %parallel_loop3A_1094 = arith.mulf %parallel_loop3A_1082, %parallel_loop3A_1093 : vector<16xf32>
        %parallel_loop3A_1095 = arith.addf %parallel_loop3A_1073, %parallel_loop3A_1094 : vector<16xf32>
        %parallel_loop3A_1096 = arith.index_cast %parallel_loop3A_1083 : i32 to index
        %parallel_loop3A_1097 = arith.constant 32 : index
        %parallel_loop3A_1098 = tpu.vector_load %arg10[%parallel_loop3A_1096, %parallel_loop3A_1097] {strides = array<i32>} : memref<800x128xf32, #tpu.memory_space<vmem>>, vector<1x16xf32>,
        %parallel_loop3A_1099 = vector.shape_cast %parallel_loop3A_1098 : vector<1x16xf32> to vector<16xf32>
        %parallel_loop3A_1100 = arith.mulf %parallel_loop3A_1082, %parallel_loop3A_1099 : vector<16xf32>
        %parallel_loop3A_1101 = arith.addf %parallel_loop3A_1074, %parallel_loop3A_1100 : vector<16xf32>
        %parallel_loop3A_1102 = arith.index_cast %parallel_loop3A_1083 : i32 to index
        %parallel_loop3A_1103 = arith.constant 48 : index
        %parallel_loop3A_1104 = tpu.vector_load %arg10[%parallel_loop3A_1102, %parallel_loop3A_1103] {strides = array<i32>} : memref<800x128xf32, #tpu.memory_space<vmem>>, vector<1x16xf32>,
        %parallel_loop3A_1105 = vector.shape_cast %parallel_loop3A_1104 : vector<1x16xf32> to vector<16xf32>
        %parallel_loop3A_1106 = arith.mulf %parallel_loop3A_1082, %parallel_loop3A_1105 : vector<16xf32>
        %parallel_loop3A_1107 = arith.addf %parallel_loop3A_1075, %parallel_loop3A_1106 : vector<16xf32>
        %parallel_loop3A_1108 = arith.index_cast %parallel_loop3A_1083 : i32 to index
        %parallel_loop3A_1109 = arith.constant 64 : index
        %parallel_loop3A_1110 = tpu.vector_load %arg10[%parallel_loop3A_1108, %parallel_loop3A_1109] {strides = array<i32>} : memref<800x128xf32, #tpu.memory_space<vmem>>, vector<1x16xf32>,
        %parallel_loop3A_1111 = vector.shape_cast %parallel_loop3A_1110 : vector<1x16xf32> to vector<16xf32>
        %parallel_loop3A_1112 = arith.mulf %parallel_loop3A_1082, %parallel_loop3A_1111 : vector<16xf32>
        %parallel_loop3A_1113 = arith.addf %parallel_loop3A_1076, %parallel_loop3A_1112 : vector<16xf32>
        %parallel_loop3A_1114 = arith.index_cast %parallel_loop3A_1083 : i32 to index
        %parallel_loop3A_1115 = arith.constant 80 : index
        %parallel_loop3A_1116 = tpu.vector_load %arg10[%parallel_loop3A_1114, %parallel_loop3A_1115] {strides = array<i32>} : memref<800x128xf32, #tpu.memory_space<vmem>>, vector<1x16xf32>,
        %parallel_loop3A_1117 = vector.shape_cast %parallel_loop3A_1116 : vector<1x16xf32> to vector<16xf32>
        %parallel_loop3A_1118 = arith.mulf %parallel_loop3A_1082, %parallel_loop3A_1117 : vector<16xf32>
        %parallel_loop3A_1119 = arith.addf %parallel_loop3A_1077, %parallel_loop3A_1118 : vector<16xf32>
        %parallel_loop3A_1120 = arith.index_cast %parallel_loop3A_1083 : i32 to index
        %parallel_loop3A_1121 = arith.constant 96 : index
        %parallel_loop3A_1122 = tpu.vector_load %arg10[%parallel_loop3A_1120, %parallel_loop3A_1121] {strides = array<i32>} : memref<800x128xf32, #tpu.memory_space<vmem>>, vector<1x16xf32>,
        %parallel_loop3A_1123 = vector.shape_cast %parallel_loop3A_1122 : vector<1x16xf32> to vector<16xf32>
        %parallel_loop3A_1124 = arith.mulf %parallel_loop3A_1082, %parallel_loop3A_1123 : vector<16xf32>
        %parallel_loop3A_1125 = arith.addf %parallel_loop3A_1078, %parallel_loop3A_1124 : vector<16xf32>
        %parallel_loop3A_1126 = arith.index_cast %parallel_loop3A_1083 : i32 to index
        %parallel_loop3A_1127 = arith.constant 112 : index
        %parallel_loop3A_1128 = tpu.vector_load %arg10[%parallel_loop3A_1126, %parallel_loop3A_1127] {strides = array<i32>} : memref<800x128xf32, #tpu.memory_space<vmem>>, vector<1x16xf32>,
        %parallel_loop3A_1129 = vector.shape_cast %parallel_loop3A_1128 : vector<1x16xf32> to vector<16xf32>
        %parallel_loop3A_1130 = arith.mulf %parallel_loop3A_1082, %parallel_loop3A_1129 : vector<16xf32>
        %parallel_loop3A_1131 = arith.addf %parallel_loop3A_1079, %parallel_loop3A_1130 : vector<16xf32>
        scf.yield %parallel_loop3A_1089, %parallel_loop3A_1095, %parallel_loop3A_1101, %parallel_loop3A_1107, %parallel_loop3A_1113, %parallel_loop3A_1119, %parallel_loop3A_1125, %parallel_loop3A_1131 : vector<16xf32>, vector<16xf32>, vector<16xf32>, vector<16xf32>, vector<16xf32>, vector<16xf32>, vector<16xf32>, vector<16xf32>
      } {sc.loop_unroll_factor = 4 : i64, sc.parallel_access}
      %mul3A_332 = arith.constant 64 : i32
      %mul3A_333 = arith.muli %add3A_258, %mul3A_332 : i32
      %add3A_334 = arith.constant 48 : i32
      %add3A_335 = arith.addi %mul3A_333, %add3A_334 : i32
      %get3A_336 = arith.index_cast %add3A_335 : i32 to index
      %get3A_337 = tpu.vector_load %arg8[%get3A_336] {strides = array<i32>} : memref<8192xf32, #tpu.memory_space<vmem>>, vector<16xf32>,
      %get3A_338 = vector.shape_cast %get3A_337 : vector<16xf32> to vector<16xf32>
      %slice3A = vector.extract_strided_slice %get3A_338 {offsets = [0], sizes = [1], strides = [1]} : vector<16xf32> to vector<1xf32>
      %squeeze3A = vector.extract %slice3A[0] : f32 from vector<1xf32>
      %mul3A_339 = arith.constant 100 : i32
      %mul3A_340 = arith.muli %rem3A_231, %mul3A_339 : i32
      %add3A_341 = arith.constant 0 : i32
      %add3A_342 = arith.addi %mul3A_340, %add3A_341 : i32
      %add3A_343 = arith.constant 48 : i32
      %add3A_344 = arith.addi %add3A_342, %add3A_343 : i32
      %add3A_345 = arith.constant 0 : i32
      %add3A_346 = arith.addi %add3A_344, %add3A_345 : i32
      %get3A_347 = arith.index_cast %add3A_346 : i32 to index
      %get3A_348 = arith.constant 0 : index
      %get3A_349 = tpu.vector_load %arg10[%get3A_347, %get3A_348] {strides = array<i32>} : memref<800x128xf32, #tpu.memory_space<vmem>>, vector<1x16xf32>,
      %get3A_350 = vector.shape_cast %get3A_349 : vector<1x16xf32> to vector<16xf32>
      %mul3A_351 = vector.broadcast %squeeze3A : f32 to vector<16xf32>
      %mul3A_352 = arith.mulf %mul3A_351, %get3A_350 : vector<16xf32>
      %add3A_353 = arith.addf %parallel_loop3A_331#0, %mul3A_352 : vector<16xf32>
      %mul3A_354 = arith.constant 100 : i32
      %mul3A_355 = arith.muli %rem3A_231, %mul3A_354 : i32
      %add3A_356 = arith.constant 0 : i32
      %add3A_357 = arith.addi %mul3A_355, %add3A_356 : i32
      %add3A_358 = arith.constant 48 : i32
      %add3A_359 = arith.addi %add3A_357, %add3A_358 : i32
      %add3A_360 = arith.constant 0 : i32
      %add3A_361 = arith.addi %add3A_359, %add3A_360 : i32
      %get3A_362 = arith.index_cast %add3A_361 : i32 to index
      %get3A_363 = arith.constant 16 : index
      %get3A_364 = tpu.vector_load %arg10[%get3A_362, %get3A_363] {strides = array<i32>} : memref<800x128xf32, #tpu.memory_space<vmem>>, vector<1x16xf32>,
      %get3A_365 = vector.shape_cast %get3A_364 : vector<1x16xf32> to vector<16xf32>
      %mul3A_366 = vector.broadcast %squeeze3A : f32 to vector<16xf32>
      %mul3A_367 = arith.mulf %mul3A_366, %get3A_365 : vector<16xf32>
      %add3A_368 = arith.addf %parallel_loop3A_331#1, %mul3A_367 : vector<16xf32>
      %mul3A_369 = arith.constant 100 : i32
      %mul3A_370 = arith.muli %rem3A_231, %mul3A_369 : i32
      %add3A_371 = arith.constant 0 : i32
      %add3A_372 = arith.addi %mul3A_370, %add3A_371 : i32
      %add3A_373 = arith.constant 48 : i32
      %add3A_374 = arith.addi %add3A_372, %add3A_373 : i32
      %add3A_375 = arith.constant 0 : i32
      %add3A_376 = arith.addi %add3A_374, %add3A_375 : i32
      %get3A_377 = arith.index_cast %add3A_376 : i32 to index
      %get3A_378 = arith.constant 32 : index
      %get3A_379 = tpu.vector_load %arg10[%get3A_377, %get3A_378] {strides = array<i32>} : memref<800x128xf32, #tpu.memory_space<vmem>>, vector<1x16xf32>,
      %get3A_380 = vector.shape_cast %get3A_379 : vector<1x16xf32> to vector<16xf32>
      %mul3A_381 = vector.broadcast %squeeze3A : f32 to vector<16xf32>
      %mul3A_382 = arith.mulf %mul3A_381, %get3A_380 : vector<16xf32>
      %add3A_383 = arith.addf %parallel_loop3A_331#2, %mul3A_382 : vector<16xf32>
      %mul3A_384 = arith.constant 100 : i32
      %mul3A_385 = arith.muli %rem3A_231, %mul3A_384 : i32
      %add3A_386 = arith.constant 0 : i32
      %add3A_387 = arith.addi %mul3A_385, %add3A_386 : i32
      %add3A_388 = arith.constant 48 : i32
      %add3A_389 = arith.addi %add3A_387, %add3A_388 : i32
      %add3A_390 = arith.constant 0 : i32
      %add3A_391 = arith.addi %add3A_389, %add3A_390 : i32
      %get3A_392 = arith.index_cast %add3A_391 : i32 to index
      %get3A_393 = arith.constant 48 : index
      %get3A_394 = tpu.vector_load %arg10[%get3A_392, %get3A_393] {strides = array<i32>} : memref<800x128xf32, #tpu.memory_space<vmem>>, vector<1x16xf32>,
      %get3A_395 = vector.shape_cast %get3A_394 : vector<1x16xf32> to vector<16xf32>
      %mul3A_396 = vector.broadcast %squeeze3A : f32 to vector<16xf32>
      %mul3A_397 = arith.mulf %mul3A_396, %get3A_395 : vector<16xf32>
      %add3A_398 = arith.addf %parallel_loop3A_331#3, %mul3A_397 : vector<16xf32>
      %mul3A_399 = arith.constant 100 : i32
      %mul3A_400 = arith.muli %rem3A_231, %mul3A_399 : i32
      %add3A_401 = arith.constant 0 : i32
      %add3A_402 = arith.addi %mul3A_400, %add3A_401 : i32
      %add3A_403 = arith.constant 48 : i32
      %add3A_404 = arith.addi %add3A_402, %add3A_403 : i32
      %add3A_405 = arith.constant 0 : i32
      %add3A_406 = arith.addi %add3A_404, %add3A_405 : i32
      %get3A_407 = arith.index_cast %add3A_406 : i32 to index
      %get3A_408 = arith.constant 64 : index
      %get3A_409 = tpu.vector_load %arg10[%get3A_407, %get3A_408] {strides = array<i32>} : memref<800x128xf32, #tpu.memory_space<vmem>>, vector<1x16xf32>,
      %get3A_410 = vector.shape_cast %get3A_409 : vector<1x16xf32> to vector<16xf32>
      %mul3A_411 = vector.broadcast %squeeze3A : f32 to vector<16xf32>
      %mul3A_412 = arith.mulf %mul3A_411, %get3A_410 : vector<16xf32>
      %add3A_413 = arith.addf %parallel_loop3A_331#4, %mul3A_412 : vector<16xf32>
      %mul3A_414 = arith.constant 100 : i32
      %mul3A_415 = arith.muli %rem3A_231, %mul3A_414 : i32
      %add3A_416 = arith.constant 0 : i32
      %add3A_417 = arith.addi %mul3A_415, %add3A_416 : i32
      %add3A_418 = arith.constant 48 : i32
      %add3A_419 = arith.addi %add3A_417, %add3A_418 : i32
      %add3A_420 = arith.constant 0 : i32
      %add3A_421 = arith.addi %add3A_419, %add3A_420 : i32
      %get3A_422 = arith.index_cast %add3A_421 : i32 to index
      %get3A_423 = arith.constant 80 : index
      %get3A_424 = tpu.vector_load %arg10[%get3A_422, %get3A_423] {strides = array<i32>} : memref<800x128xf32, #tpu.memory_space<vmem>>, vector<1x16xf32>,
      %get3A_425 = vector.shape_cast %get3A_424 : vector<1x16xf32> to vector<16xf32>
      %mul3A_426 = vector.broadcast %squeeze3A : f32 to vector<16xf32>
      %mul3A_427 = arith.mulf %mul3A_426, %get3A_425 : vector<16xf32>
      %add3A_428 = arith.addf %parallel_loop3A_331#5, %mul3A_427 : vector<16xf32>
      %mul3A_429 = arith.constant 100 : i32
      %mul3A_430 = arith.muli %rem3A_231, %mul3A_429 : i32
      %add3A_431 = arith.constant 0 : i32
      %add3A_432 = arith.addi %mul3A_430, %add3A_431 : i32
      %add3A_433 = arith.constant 48 : i32
      %add3A_434 = arith.addi %add3A_432, %add3A_433 : i32
      %add3A_435 = arith.constant 0 : i32
      %add3A_436 = arith.addi %add3A_434, %add3A_435 : i32
      %get3A_437 = arith.index_cast %add3A_436 : i32 to index
      %get3A_438 = arith.constant 96 : index
      %get3A_439 = tpu.vector_load %arg10[%get3A_437, %get3A_438] {strides = array<i32>} : memref<800x128xf32, #tpu.memory_space<vmem>>, vector<1x16xf32>,
      %get3A_440 = vector.shape_cast %get3A_439 : vector<1x16xf32> to vector<16xf32>
      %mul3A_441 = vector.broadcast %squeeze3A : f32 to vector<16xf32>
      %mul3A_442 = arith.mulf %mul3A_441, %get3A_440 : vector<16xf32>
      %add3A_443 = arith.addf %parallel_loop3A_331#6, %mul3A_442 : vector<16xf32>
      %mul3A_444 = arith.constant 100 : i32
      %mul3A_445 = arith.muli %rem3A_231, %mul3A_444 : i32
      %add3A_446 = arith.constant 0 : i32
      %add3A_447 = arith.addi %mul3A_445, %add3A_446 : i32
      %add3A_448 = arith.constant 48 : i32
      %add3A_449 = arith.addi %add3A_447, %add3A_448 : i32
      %add3A_450 = arith.constant 0 : i32
      %add3A_451 = arith.addi %add3A_449, %add3A_450 : i32
      %get3A_452 = arith.index_cast %add3A_451 : i32 to index
      %get3A_453 = arith.constant 112 : index
      %get3A_454 = tpu.vector_load %arg10[%get3A_452, %get3A_453] {strides = array<i32>} : memref<800x128xf32, #tpu.memory_space<vmem>>, vector<1x16xf32>,
      %get3A_455 = vector.shape_cast %get3A_454 : vector<1x16xf32> to vector<16xf32>
      %mul3A_456 = vector.broadcast %squeeze3A : f32 to vector<16xf32>
      %mul3A_457 = arith.mulf %mul3A_456, %get3A_455 : vector<16xf32>
      %add3A_458 = arith.addf %parallel_loop3A_331#7, %mul3A_457 : vector<16xf32>
      %slice3A_459 = vector.extract_strided_slice %get3A_338 {offsets = [1], sizes = [1], strides = [1]} : vector<16xf32> to vector<1xf32>
      %squeeze3A_460 = vector.extract %slice3A_459[0] : f32 from vector<1xf32>
      %mul3A_461 = arith.constant 100 : i32
      %mul3A_462 = arith.muli %rem3A_231, %mul3A_461 : i32
      %add3A_463 = arith.constant 0 : i32
      %add3A_464 = arith.addi %mul3A_462, %add3A_463 : i32
      %add3A_465 = arith.constant 48 : i32
      %add3A_466 = arith.addi %add3A_464, %add3A_465 : i32
      %add3A_467 = arith.constant 1 : i32
      %add3A_468 = arith.addi %add3A_466, %add3A_467 : i32
      %get3A_469 = arith.index_cast %add3A_468 : i32 to index
      %get3A_470 = arith.constant 0 : index
      %get3A_471 = tpu.vector_load %arg10[%get3A_469, %get3A_470] {strides = array<i32>} : memref<800x128xf32, #tpu.memory_space<vmem>>, vector<1x16xf32>,
      %get3A_472 = vector.shape_cast %get3A_471 : vector<1x16xf32> to vector<16xf32>
      %mul3A_473 = vector.broadcast %squeeze3A_460 : f32 to vector<16xf32>
      %mul3A_474 = arith.mulf %mul3A_473, %get3A_472 : vector<16xf32>
      %add3A_475 = arith.addf %add3A_353, %mul3A_474 : vector<16xf32>
      %mul3A_476 = arith.constant 100 : i32
      %mul3A_477 = arith.muli %rem3A_231, %mul3A_476 : i32
      %add3A_478 = arith.constant 0 : i32
      %add3A_479 = arith.addi %mul3A_477, %add3A_478 : i32
      %add3A_480 = arith.constant 48 : i32
      %add3A_481 = arith.addi %add3A_479, %add3A_480 : i32
      %add3A_482 = arith.constant 1 : i32
      %add3A_483 = arith.addi %add3A_481, %add3A_482 : i32
      %get3A_484 = arith.index_cast %add3A_483 : i32 to index
      %get3A_485 = arith.constant 16 : index
      %get3A_486 = tpu.vector_load %arg10[%get3A_484, %get3A_485] {strides = array<i32>} : memref<800x128xf32, #tpu.memory_space<vmem>>, vector<1x16xf32>,
      %get3A_487 = vector.shape_cast %get3A_486 : vector<1x16xf32> to vector<16xf32>
      %mul3A_488 = vector.broadcast %squeeze3A_460 : f32 to vector<16xf32>
      %mul3A_489 = arith.mulf %mul3A_488, %get3A_487 : vector<16xf32>
      %add3A_490 = arith.addf %add3A_368, %mul3A_489 : vector<16xf32>
      %mul3A_491 = arith.constant 100 : i32
      %mul3A_492 = arith.muli %rem3A_231, %mul3A_491 : i32
      %add3A_493 = arith.constant 0 : i32
      %add3A_494 = arith.addi %mul3A_492, %add3A_493 : i32
      %add3A_495 = arith.constant 48 : i32
      %add3A_496 = arith.addi %add3A_494, %add3A_495 : i32
      %add3A_497 = arith.constant 1 : i32
      %add3A_498 = arith.addi %add3A_496, %add3A_497 : i32
      %get3A_499 = arith.index_cast %add3A_498 : i32 to index
      %get3A_500 = arith.constant 32 : index
      %get3A_501 = tpu.vector_load %arg10[%get3A_499, %get3A_500] {strides = array<i32>} : memref<800x128xf32, #tpu.memory_space<vmem>>, vector<1x16xf32>,
      %get3A_502 = vector.shape_cast %get3A_501 : vector<1x16xf32> to vector<16xf32>
      %mul3A_503 = vector.broadcast %squeeze3A_460 : f32 to vector<16xf32>
      %mul3A_504 = arith.mulf %mul3A_503, %get3A_502 : vector<16xf32>
      %add3A_505 = arith.addf %add3A_383, %mul3A_504 : vector<16xf32>
      %mul3A_506 = arith.constant 100 : i32
      %mul3A_507 = arith.muli %rem3A_231, %mul3A_506 : i32
      %add3A_508 = arith.constant 0 : i32
      %add3A_509 = arith.addi %mul3A_507, %add3A_508 : i32
      %add3A_510 = arith.constant 48 : i32
      %add3A_511 = arith.addi %add3A_509, %add3A_510 : i32
      %add3A_512 = arith.constant 1 : i32
      %add3A_513 = arith.addi %add3A_511, %add3A_512 : i32
      %get3A_514 = arith.index_cast %add3A_513 : i32 to index
      %get3A_515 = arith.constant 48 : index
      %get3A_516 = tpu.vector_load %arg10[%get3A_514, %get3A_515] {strides = array<i32>} : memref<800x128xf32, #tpu.memory_space<vmem>>, vector<1x16xf32>,
      %get3A_517 = vector.shape_cast %get3A_516 : vector<1x16xf32> to vector<16xf32>
      %mul3A_518 = vector.broadcast %squeeze3A_460 : f32 to vector<16xf32>
      %mul3A_519 = arith.mulf %mul3A_518, %get3A_517 : vector<16xf32>
      %add3A_520 = arith.addf %add3A_398, %mul3A_519 : vector<16xf32>
      %mul3A_521 = arith.constant 100 : i32
      %mul3A_522 = arith.muli %rem3A_231, %mul3A_521 : i32
      %add3A_523 = arith.constant 0 : i32
      %add3A_524 = arith.addi %mul3A_522, %add3A_523 : i32
      %add3A_525 = arith.constant 48 : i32
      %add3A_526 = arith.addi %add3A_524, %add3A_525 : i32
      %add3A_527 = arith.constant 1 : i32
      %add3A_528 = arith.addi %add3A_526, %add3A_527 : i32
      %get3A_529 = arith.index_cast %add3A_528 : i32 to index
      %get3A_530 = arith.constant 64 : index
      %get3A_531 = tpu.vector_load %arg10[%get3A_529, %get3A_530] {strides = array<i32>} : memref<800x128xf32, #tpu.memory_space<vmem>>, vector<1x16xf32>,
      %get3A_532 = vector.shape_cast %get3A_531 : vector<1x16xf32> to vector<16xf32>
      %mul3A_533 = vector.broadcast %squeeze3A_460 : f32 to vector<16xf32>
      %mul3A_534 = arith.mulf %mul3A_533, %get3A_532 : vector<16xf32>
      %add3A_535 = arith.addf %add3A_413, %mul3A_534 : vector<16xf32>
      %mul3A_536 = arith.constant 100 : i32
      %mul3A_537 = arith.muli %rem3A_231, %mul3A_536 : i32
      %add3A_538 = arith.constant 0 : i32
      %add3A_539 = arith.addi %mul3A_537, %add3A_538 : i32
      %add3A_540 = arith.constant 48 : i32
      %add3A_541 = arith.addi %add3A_539, %add3A_540 : i32
      %add3A_542 = arith.constant 1 : i32
      %add3A_543 = arith.addi %add3A_541, %add3A_542 : i32
      %get3A_544 = arith.index_cast %add3A_543 : i32 to index
      %get3A_545 = arith.constant 80 : index
      %get3A_546 = tpu.vector_load %arg10[%get3A_544, %get3A_545] {strides = array<i32>} : memref<800x128xf32, #tpu.memory_space<vmem>>, vector<1x16xf32>,
      %get3A_547 = vector.shape_cast %get3A_546 : vector<1x16xf32> to vector<16xf32>
      %mul3A_548 = vector.broadcast %squeeze3A_460 : f32 to vector<16xf32>
      %mul3A_549 = arith.mulf %mul3A_548, %get3A_547 : vector<16xf32>
      %add3A_550 = arith.addf %add3A_428, %mul3A_549 : vector<16xf32>
      %mul3A_551 = arith.constant 100 : i32
      %mul3A_552 = arith.muli %rem3A_231, %mul3A_551 : i32
      %add3A_553 = arith.constant 0 : i32
      %add3A_554 = arith.addi %mul3A_552, %add3A_553 : i32
      %add3A_555 = arith.constant 48 : i32
      %add3A_556 = arith.addi %add3A_554, %add3A_555 : i32
      %add3A_557 = arith.constant 1 : i32
      %add3A_558 = arith.addi %add3A_556, %add3A_557 : i32
      %get3A_559 = arith.index_cast %add3A_558 : i32 to index
      %get3A_560 = arith.constant 96 : index
      %get3A_561 = tpu.vector_load %arg10[%get3A_559, %get3A_560] {strides = array<i32>} : memref<800x128xf32, #tpu.memory_space<vmem>>, vector<1x16xf32>,
      %get3A_562 = vector.shape_cast %get3A_561 : vector<1x16xf32> to vector<16xf32>
      %mul3A_563 = vector.broadcast %squeeze3A_460 : f32 to vector<16xf32>
      %mul3A_564 = arith.mulf %mul3A_563, %get3A_562 : vector<16xf32>
      %add3A_565 = arith.addf %add3A_443, %mul3A_564 : vector<16xf32>
      %mul3A_566 = arith.constant 100 : i32
      %mul3A_567 = arith.muli %rem3A_231, %mul3A_566 : i32
      %add3A_568 = arith.constant 0 : i32
      %add3A_569 = arith.addi %mul3A_567, %add3A_568 : i32
      %add3A_570 = arith.constant 48 : i32
      %add3A_571 = arith.addi %add3A_569, %add3A_570 : i32
      %add3A_572 = arith.constant 1 : i32
      %add3A_573 = arith.addi %add3A_571, %add3A_572 : i32
      %get3A_574 = arith.index_cast %add3A_573 : i32 to index
      %get3A_575 = arith.constant 112 : index
      %get3A_576 = tpu.vector_load %arg10[%get3A_574, %get3A_575] {strides = array<i32>} : memref<800x128xf32, #tpu.memory_space<vmem>>, vector<1x16xf32>,
      %get3A_577 = vector.shape_cast %get3A_576 : vector<1x16xf32> to vector<16xf32>
      %mul3A_578 = vector.broadcast %squeeze3A_460 : f32 to vector<16xf32>
      %mul3A_579 = arith.mulf %mul3A_578, %get3A_577 : vector<16xf32>
      %add3A_580 = arith.addf %add3A_458, %mul3A_579 : vector<16xf32>
      %mul3A_581 = arith.constant 2 : i32
      %mul3A_582 = arith.muli %rem3A_231, %mul3A_581 : i32
      %add3A_583 = arith.constant 0 : i32
      %add3A_584 = arith.addi %mul3A_582, %add3A_583 : i32
      %swap3A = arith.index_cast %add3A_584 : i32 to index
      %swap3A_585 = arith.constant 0 : index
      %swap3A_586 = tpu.vector_load %arg11[%swap3A, %swap3A_585] {strides = array<i32>} : memref<16x128xf32, #tpu.memory_space<vmem>>, vector<1x16xf32>,
      %swap3A_587 = vector.shape_cast %swap3A_586 : vector<1x16xf32> to vector<16xf32>
      %swap3A_588 = vector.shape_cast %add3A_475 : vector<16xf32> to vector<1x16xf32>
      tpu.vector_store %arg11[%swap3A, %swap3A_585], %swap3A_588 {strides = array<i32>} : memref<16x128xf32, #tpu.memory_space<vmem>>, vector<1x16xf32>,
      %mul3A_589 = arith.constant 2 : i32
      %mul3A_590 = arith.muli %rem3A_231, %mul3A_589 : i32
      %add3A_591 = arith.constant 0 : i32
      %add3A_592 = arith.addi %mul3A_590, %add3A_591 : i32
      %swap3A_593 = arith.index_cast %add3A_592 : i32 to index
      %swap3A_594 = arith.constant 16 : index
      %swap3A_595 = tpu.vector_load %arg11[%swap3A_593, %swap3A_594] {strides = array<i32>} : memref<16x128xf32, #tpu.memory_space<vmem>>, vector<1x16xf32>,
      %swap3A_596 = vector.shape_cast %swap3A_595 : vector<1x16xf32> to vector<16xf32>
      %swap3A_597 = vector.shape_cast %add3A_490 : vector<16xf32> to vector<1x16xf32>
      tpu.vector_store %arg11[%swap3A_593, %swap3A_594], %swap3A_597 {strides = array<i32>} : memref<16x128xf32, #tpu.memory_space<vmem>>, vector<1x16xf32>,
      %mul3A_598 = arith.constant 2 : i32
      %mul3A_599 = arith.muli %rem3A_231, %mul3A_598 : i32
      %add3A_600 = arith.constant 0 : i32
      %add3A_601 = arith.addi %mul3A_599, %add3A_600 : i32
      %swap3A_602 = arith.index_cast %add3A_601 : i32 to index
      %swap3A_603 = arith.constant 32 : index
      %swap3A_604 = tpu.vector_load %arg11[%swap3A_602, %swap3A_603] {strides = array<i32>} : memref<16x128xf32, #tpu.memory_space<vmem>>, vector<1x16xf32>,
      %swap3A_605 = vector.shape_cast %swap3A_604 : vector<1x16xf32> to vector<16xf32>
      %swap3A_606 = vector.shape_cast %add3A_505 : vector<16xf32> to vector<1x16xf32>
      tpu.vector_store %arg11[%swap3A_602, %swap3A_603], %swap3A_606 {strides = array<i32>} : memref<16x128xf32, #tpu.memory_space<vmem>>, vector<1x16xf32>,
      %mul3A_607 = arith.constant 2 : i32
      %mul3A_608 = arith.muli %rem3A_231, %mul3A_607 : i32
      %add3A_609 = arith.constant 0 : i32
      %add3A_610 = arith.addi %mul3A_608, %add3A_609 : i32
      %swap3A_611 = arith.index_cast %add3A_610 : i32 to index
      %swap3A_612 = arith.constant 48 : index
      %swap3A_613 = tpu.vector_load %arg11[%swap3A_611, %swap3A_612] {strides = array<i32>} : memref<16x128xf32, #tpu.memory_space<vmem>>, vector<1x16xf32>,
      %swap3A_614 = vector.shape_cast %swap3A_613 : vector<1x16xf32> to vector<16xf32>
      %swap3A_615 = vector.shape_cast %add3A_520 : vector<16xf32> to vector<1x16xf32>
      tpu.vector_store %arg11[%swap3A_611, %swap3A_612], %swap3A_615 {strides = array<i32>} : memref<16x128xf32, #tpu.memory_space<vmem>>, vector<1x16xf32>,
      %mul3A_616 = arith.constant 2 : i32
      %mul3A_617 = arith.muli %rem3A_231, %mul3A_616 : i32
      %add3A_618 = arith.constant 0 : i32
      %add3A_619 = arith.addi %mul3A_617, %add3A_618 : i32
      %swap3A_620 = arith.index_cast %add3A_619 : i32 to index
      %swap3A_621 = arith.constant 64 : index
      %swap3A_622 = tpu.vector_load %arg11[%swap3A_620, %swap3A_621] {strides = array<i32>} : memref<16x128xf32, #tpu.memory_space<vmem>>, vector<1x16xf32>,
      %swap3A_623 = vector.shape_cast %swap3A_622 : vector<1x16xf32> to vector<16xf32>
      %swap3A_624 = vector.shape_cast %add3A_535 : vector<16xf32> to vector<1x16xf32>
      tpu.vector_store %arg11[%swap3A_620, %swap3A_621], %swap3A_624 {strides = array<i32>} : memref<16x128xf32, #tpu.memory_space<vmem>>, vector<1x16xf32>,
      %mul3A_625 = arith.constant 2 : i32
      %mul3A_626 = arith.muli %rem3A_231, %mul3A_625 : i32
      %add3A_627 = arith.constant 0 : i32
      %add3A_628 = arith.addi %mul3A_626, %add3A_627 : i32
      %swap3A_629 = arith.index_cast %add3A_628 : i32 to index
      %swap3A_630 = arith.constant 80 : index
      %swap3A_631 = tpu.vector_load %arg11[%swap3A_629, %swap3A_630] {strides = array<i32>} : memref<16x128xf32, #tpu.memory_space<vmem>>, vector<1x16xf32>,
      %swap3A_632 = vector.shape_cast %swap3A_631 : vector<1x16xf32> to vector<16xf32>
      %swap3A_633 = vector.shape_cast %add3A_550 : vector<16xf32> to vector<1x16xf32>
      tpu.vector_store %arg11[%swap3A_629, %swap3A_630], %swap3A_633 {strides = array<i32>} : memref<16x128xf32, #tpu.memory_space<vmem>>, vector<1x16xf32>,
      %mul3A_634 = arith.constant 2 : i32
      %mul3A_635 = arith.muli %rem3A_231, %mul3A_634 : i32
      %add3A_636 = arith.constant 0 : i32
      %add3A_637 = arith.addi %mul3A_635, %add3A_636 : i32
      %swap3A_638 = arith.index_cast %add3A_637 : i32 to index
      %swap3A_639 = arith.constant 96 : index
      %swap3A_640 = tpu.vector_load %arg11[%swap3A_638, %swap3A_639] {strides = array<i32>} : memref<16x128xf32, #tpu.memory_space<vmem>>, vector<1x16xf32>,
      %swap3A_641 = vector.shape_cast %swap3A_640 : vector<1x16xf32> to vector<16xf32>
      %swap3A_642 = vector.shape_cast %add3A_565 : vector<16xf32> to vector<1x16xf32>
      tpu.vector_store %arg11[%swap3A_638, %swap3A_639], %swap3A_642 {strides = array<i32>} : memref<16x128xf32, #tpu.memory_space<vmem>>, vector<1x16xf32>,
      %mul3A_643 = arith.constant 2 : i32
      %mul3A_644 = arith.muli %rem3A_231, %mul3A_643 : i32
      %add3A_645 = arith.constant 0 : i32
      %add3A_646 = arith.addi %mul3A_644, %add3A_645 : i32
      %swap3A_647 = arith.index_cast %add3A_646 : i32 to index
      %swap3A_648 = arith.constant 112 : index
      %swap3A_649 = tpu.vector_load %arg11[%swap3A_647, %swap3A_648] {strides = array<i32>} : memref<16x128xf32, #tpu.memory_space<vmem>>, vector<1x16xf32>,
      %swap3A_650 = vector.shape_cast %swap3A_649 : vector<1x16xf32> to vector<16xf32>
      %swap3A_651 = vector.shape_cast %add3A_580 : vector<16xf32> to vector<1x16xf32>
      tpu.vector_store %arg11[%swap3A_647, %swap3A_648], %swap3A_651 {strides = array<i32>} : memref<16x128xf32, #tpu.memory_space<vmem>>, vector<1x16xf32>,
      %mul3A_652 = arith.constant 2 : i32
      %mul3A_653 = arith.muli %mul3A_652, %scan3A_230 : i32
      %add3A_654 = arith.constant 1 : i32
      %add3A_655 = arith.addi %mul3A_653, %add3A_654 : i32
      %get3A_656 = arith.constant 0 : index
      %get3A_657 = tpu.vector_load %arg9[%get3A_656] {strides = array<i32>} : memref<128xf32, #tpu.memory_space<vmem>>, vector<16xf32>,
      %get3A_658 = vector.shape_cast %get3A_657 : vector<16xf32> to vector<16xf32>
      %get3A_659 = arith.constant 16 : index
      %get3A_660 = tpu.vector_load %arg9[%get3A_659] {strides = array<i32>} : memref<128xf32, #tpu.memory_space<vmem>>, vector<16xf32>,
      %get3A_661 = vector.shape_cast %get3A_660 : vector<16xf32> to vector<16xf32>
      %get3A_662 = arith.constant 32 : index
      %get3A_663 = tpu.vector_load %arg9[%get3A_662] {strides = array<i32>} : memref<128xf32, #tpu.memory_space<vmem>>, vector<16xf32>,
      %get3A_664 = vector.shape_cast %get3A_663 : vector<16xf32> to vector<16xf32>
      %get3A_665 = arith.constant 48 : index
      %get3A_666 = tpu.vector_load %arg9[%get3A_665] {strides = array<i32>} : memref<128xf32, #tpu.memory_space<vmem>>, vector<16xf32>,
      %get3A_667 = vector.shape_cast %get3A_666 : vector<16xf32> to vector<16xf32>
      %get3A_668 = arith.constant 64 : index
      %get3A_669 = tpu.vector_load %arg9[%get3A_668] {strides = array<i32>} : memref<128xf32, #tpu.memory_space<vmem>>, vector<16xf32>,
      %get3A_670 = vector.shape_cast %get3A_669 : vector<16xf32> to vector<16xf32>
      %get3A_671 = arith.constant 80 : index
      %get3A_672 = tpu.vector_load %arg9[%get3A_671] {strides = array<i32>} : memref<128xf32, #tpu.memory_space<vmem>>, vector<16xf32>,
      %get3A_673 = vector.shape_cast %get3A_672 : vector<16xf32> to vector<16xf32>
      %get3A_674 = arith.constant 96 : index
      %get3A_675 = tpu.vector_load %arg9[%get3A_674] {strides = array<i32>} : memref<128xf32, #tpu.memory_space<vmem>>, vector<16xf32>,
      %get3A_676 = vector.shape_cast %get3A_675 : vector<16xf32> to vector<16xf32>
      %get3A_677 = arith.constant 112 : index
      %get3A_678 = tpu.vector_load %arg9[%get3A_677] {strides = array<i32>} : memref<128xf32, #tpu.memory_space<vmem>>, vector<16xf32>,
      %get3A_679 = vector.shape_cast %get3A_678 : vector<16xf32> to vector<16xf32>
      %mul3A_680 = arith.constant 64 : i32
      %mul3A_681 = arith.muli %add3A_655, %mul3A_680 : i32
      %add3A_682 = arith.constant 0 : i32
      %add3A_683 = arith.addi %mul3A_681, %add3A_682 : i32
      %get3A_684 = arith.index_cast %add3A_683 : i32 to index
      %get3A_685 = tpu.vector_load %arg8[%get3A_684] {strides = array<i32>} : memref<8192xf32, #tpu.memory_space<vmem>>, vector<16xf32>,
      %get3A_686 = vector.shape_cast %get3A_685 : vector<16xf32> to vector<16xf32>
      %mul3A_687 = arith.constant 100 : i32
      %mul3A_688 = arith.muli %rem3A_231, %mul3A_687 : i32
      %add3A_689 = arith.constant 50 : i32
      %add3A_690 = arith.addi %mul3A_688, %add3A_689 : i32
      %add3A_691 = arith.constant 0 : i32
      %add3A_692 = arith.addi %add3A_690, %add3A_691 : i32
      %parallel_loop3A_693 = arith.constant 0 : i32
      %parallel_loop3A_694 = arith.constant 16 : i32
      %parallel_loop3A_695 = arith.constant 1 : i32
      %parallel_loop3A_696:8 = scf.for %parallel_loop3A_1071 = %parallel_loop3A_693 to %parallel_loop3A_694 step %parallel_loop3A_695 iter_args(%parallel_loop3A_1072 = %get3A_658, %parallel_loop3A_1073 = %get3A_661, %parallel_loop3A_1074 = %get3A_664, %parallel_loop3A_1075 = %get3A_667, %parallel_loop3A_1076 = %get3A_670, %parallel_loop3A_1077 = %get3A_673, %parallel_loop3A_1078 = %get3A_676, %parallel_loop3A_1079 = %get3A_679) -> (vector<16xf32>, vector<16xf32>, vector<16xf32>, vector<16xf32>, vector<16xf32>, vector<16xf32>, vector<16xf32>, vector<16xf32>)  : i32 {
        %parallel_loop3A_1080 = vector.broadcast %parallel_loop3A_1071 : i32 to vector<16x1xi32>
        %parallel_loop3A_1081 = vector.shape_cast %parallel_loop3A_1080 : vector<16x1xi32> to vector<16xi32>
        %parallel_loop3A_1082 = tpu.dynamic_gather %get3A_686[%parallel_loop3A_1081] in [0] : vector<16xf32>, vector<16xi32> -> vector<16xf32>
        %parallel_loop3A_1083 = arith.addi %add3A_692, %parallel_loop3A_1071 : i32
        %parallel_loop3A_1084 = arith.index_cast %parallel_loop3A_1083 : i32 to index
        %parallel_loop3A_1085 = arith.constant 0 : index
        %parallel_loop3A_1086 = tpu.vector_load %arg10[%parallel_loop3A_1084, %parallel_loop3A_1085] {strides = array<i32>} : memref<800x128xf32, #tpu.memory_space<vmem>>, vector<1x16xf32>,
        %parallel_loop3A_1087 = vector.shape_cast %parallel_loop3A_1086 : vector<1x16xf32> to vector<16xf32>
        %parallel_loop3A_1088 = arith.mulf %parallel_loop3A_1082, %parallel_loop3A_1087 : vector<16xf32>
        %parallel_loop3A_1089 = arith.addf %parallel_loop3A_1072, %parallel_loop3A_1088 : vector<16xf32>
        %parallel_loop3A_1090 = arith.index_cast %parallel_loop3A_1083 : i32 to index
        %parallel_loop3A_1091 = arith.constant 16 : index
        %parallel_loop3A_1092 = tpu.vector_load %arg10[%parallel_loop3A_1090, %parallel_loop3A_1091] {strides = array<i32>} : memref<800x128xf32, #tpu.memory_space<vmem>>, vector<1x16xf32>,
        %parallel_loop3A_1093 = vector.shape_cast %parallel_loop3A_1092 : vector<1x16xf32> to vector<16xf32>
        %parallel_loop3A_1094 = arith.mulf %parallel_loop3A_1082, %parallel_loop3A_1093 : vector<16xf32>
        %parallel_loop3A_1095 = arith.addf %parallel_loop3A_1073, %parallel_loop3A_1094 : vector<16xf32>
        %parallel_loop3A_1096 = arith.index_cast %parallel_loop3A_1083 : i32 to index
        %parallel_loop3A_1097 = arith.constant 32 : index
        %parallel_loop3A_1098 = tpu.vector_load %arg10[%parallel_loop3A_1096, %parallel_loop3A_1097] {strides = array<i32>} : memref<800x128xf32, #tpu.memory_space<vmem>>, vector<1x16xf32>,
        %parallel_loop3A_1099 = vector.shape_cast %parallel_loop3A_1098 : vector<1x16xf32> to vector<16xf32>
        %parallel_loop3A_1100 = arith.mulf %parallel_loop3A_1082, %parallel_loop3A_1099 : vector<16xf32>
        %parallel_loop3A_1101 = arith.addf %parallel_loop3A_1074, %parallel_loop3A_1100 : vector<16xf32>
        %parallel_loop3A_1102 = arith.index_cast %parallel_loop3A_1083 : i32 to index
        %parallel_loop3A_1103 = arith.constant 48 : index
        %parallel_loop3A_1104 = tpu.vector_load %arg10[%parallel_loop3A_1102, %parallel_loop3A_1103] {strides = array<i32>} : memref<800x128xf32, #tpu.memory_space<vmem>>, vector<1x16xf32>,
        %parallel_loop3A_1105 = vector.shape_cast %parallel_loop3A_1104 : vector<1x16xf32> to vector<16xf32>
        %parallel_loop3A_1106 = arith.mulf %parallel_loop3A_1082, %parallel_loop3A_1105 : vector<16xf32>
        %parallel_loop3A_1107 = arith.addf %parallel_loop3A_1075, %parallel_loop3A_1106 : vector<16xf32>
        %parallel_loop3A_1108 = arith.index_cast %parallel_loop3A_1083 : i32 to index
        %parallel_loop3A_1109 = arith.constant 64 : index
        %parallel_loop3A_1110 = tpu.vector_load %arg10[%parallel_loop3A_1108, %parallel_loop3A_1109] {strides = array<i32>} : memref<800x128xf32, #tpu.memory_space<vmem>>, vector<1x16xf32>,
        %parallel_loop3A_1111 = vector.shape_cast %parallel_loop3A_1110 : vector<1x16xf32> to vector<16xf32>
        %parallel_loop3A_1112 = arith.mulf %parallel_loop3A_1082, %parallel_loop3A_1111 : vector<16xf32>
        %parallel_loop3A_1113 = arith.addf %parallel_loop3A_1076, %parallel_loop3A_1112 : vector<16xf32>
        %parallel_loop3A_1114 = arith.index_cast %parallel_loop3A_1083 : i32 to index
        %parallel_loop3A_1115 = arith.constant 80 : index
        %parallel_loop3A_1116 = tpu.vector_load %arg10[%parallel_loop3A_1114, %parallel_loop3A_1115] {strides = array<i32>} : memref<800x128xf32, #tpu.memory_space<vmem>>, vector<1x16xf32>,
        %parallel_loop3A_1117 = vector.shape_cast %parallel_loop3A_1116 : vector<1x16xf32> to vector<16xf32>
        %parallel_loop3A_1118 = arith.mulf %parallel_loop3A_1082, %parallel_loop3A_1117 : vector<16xf32>
        %parallel_loop3A_1119 = arith.addf %parallel_loop3A_1077, %parallel_loop3A_1118 : vector<16xf32>
        %parallel_loop3A_1120 = arith.index_cast %parallel_loop3A_1083 : i32 to index
        %parallel_loop3A_1121 = arith.constant 96 : index
        %parallel_loop3A_1122 = tpu.vector_load %arg10[%parallel_loop3A_1120, %parallel_loop3A_1121] {strides = array<i32>} : memref<800x128xf32, #tpu.memory_space<vmem>>, vector<1x16xf32>,
        %parallel_loop3A_1123 = vector.shape_cast %parallel_loop3A_1122 : vector<1x16xf32> to vector<16xf32>
        %parallel_loop3A_1124 = arith.mulf %parallel_loop3A_1082, %parallel_loop3A_1123 : vector<16xf32>
        %parallel_loop3A_1125 = arith.addf %parallel_loop3A_1078, %parallel_loop3A_1124 : vector<16xf32>
        %parallel_loop3A_1126 = arith.index_cast %parallel_loop3A_1083 : i32 to index
        %parallel_loop3A_1127 = arith.constant 112 : index
        %parallel_loop3A_1128 = tpu.vector_load %arg10[%parallel_loop3A_1126, %parallel_loop3A_1127] {strides = array<i32>} : memref<800x128xf32, #tpu.memory_space<vmem>>, vector<1x16xf32>,
        %parallel_loop3A_1129 = vector.shape_cast %parallel_loop3A_1128 : vector<1x16xf32> to vector<16xf32>
        %parallel_loop3A_1130 = arith.mulf %parallel_loop3A_1082, %parallel_loop3A_1129 : vector<16xf32>
        %parallel_loop3A_1131 = arith.addf %parallel_loop3A_1079, %parallel_loop3A_1130 : vector<16xf32>
        scf.yield %parallel_loop3A_1089, %parallel_loop3A_1095, %parallel_loop3A_1101, %parallel_loop3A_1107, %parallel_loop3A_1113, %parallel_loop3A_1119, %parallel_loop3A_1125, %parallel_loop3A_1131 : vector<16xf32>, vector<16xf32>, vector<16xf32>, vector<16xf32>, vector<16xf32>, vector<16xf32>, vector<16xf32>, vector<16xf32>
      } {sc.loop_unroll_factor = 4 : i64, sc.parallel_access}
      %mul3A_697 = arith.constant 64 : i32
      %mul3A_698 = arith.muli %add3A_655, %mul3A_697 : i32
      %add3A_699 = arith.constant 16 : i32
      %add3A_700 = arith.addi %mul3A_698, %add3A_699 : i32
      %get3A_701 = arith.index_cast %add3A_700 : i32 to index
      %get3A_702 = tpu.vector_load %arg8[%get3A_701] {strides = array<i32>} : memref<8192xf32, #tpu.memory_space<vmem>>, vector<16xf32>,
      %get3A_703 = vector.shape_cast %get3A_702 : vector<16xf32> to vector<16xf32>
      %mul3A_704 = arith.constant 100 : i32
      %mul3A_705 = arith.muli %rem3A_231, %mul3A_704 : i32
      %add3A_706 = arith.constant 50 : i32
      %add3A_707 = arith.addi %mul3A_705, %add3A_706 : i32
      %add3A_708 = arith.constant 16 : i32
      %add3A_709 = arith.addi %add3A_707, %add3A_708 : i32
      %parallel_loop3A_710 = arith.constant 0 : i32
      %parallel_loop3A_711 = arith.constant 16 : i32
      %parallel_loop3A_712 = arith.constant 1 : i32
      %parallel_loop3A_713:8 = scf.for %parallel_loop3A_1071 = %parallel_loop3A_710 to %parallel_loop3A_711 step %parallel_loop3A_712 iter_args(%parallel_loop3A_1072 = %parallel_loop3A_696#0, %parallel_loop3A_1073 = %parallel_loop3A_696#1, %parallel_loop3A_1074 = %parallel_loop3A_696#2, %parallel_loop3A_1075 = %parallel_loop3A_696#3, %parallel_loop3A_1076 = %parallel_loop3A_696#4, %parallel_loop3A_1077 = %parallel_loop3A_696#5, %parallel_loop3A_1078 = %parallel_loop3A_696#6, %parallel_loop3A_1079 = %parallel_loop3A_696#7) -> (vector<16xf32>, vector<16xf32>, vector<16xf32>, vector<16xf32>, vector<16xf32>, vector<16xf32>, vector<16xf32>, vector<16xf32>)  : i32 {
        %parallel_loop3A_1080 = vector.broadcast %parallel_loop3A_1071 : i32 to vector<16x1xi32>
        %parallel_loop3A_1081 = vector.shape_cast %parallel_loop3A_1080 : vector<16x1xi32> to vector<16xi32>
        %parallel_loop3A_1082 = tpu.dynamic_gather %get3A_703[%parallel_loop3A_1081] in [0] : vector<16xf32>, vector<16xi32> -> vector<16xf32>
        %parallel_loop3A_1083 = arith.addi %add3A_709, %parallel_loop3A_1071 : i32
        %parallel_loop3A_1084 = arith.index_cast %parallel_loop3A_1083 : i32 to index
        %parallel_loop3A_1085 = arith.constant 0 : index
        %parallel_loop3A_1086 = tpu.vector_load %arg10[%parallel_loop3A_1084, %parallel_loop3A_1085] {strides = array<i32>} : memref<800x128xf32, #tpu.memory_space<vmem>>, vector<1x16xf32>,
        %parallel_loop3A_1087 = vector.shape_cast %parallel_loop3A_1086 : vector<1x16xf32> to vector<16xf32>
        %parallel_loop3A_1088 = arith.mulf %parallel_loop3A_1082, %parallel_loop3A_1087 : vector<16xf32>
        %parallel_loop3A_1089 = arith.addf %parallel_loop3A_1072, %parallel_loop3A_1088 : vector<16xf32>
        %parallel_loop3A_1090 = arith.index_cast %parallel_loop3A_1083 : i32 to index
        %parallel_loop3A_1091 = arith.constant 16 : index
        %parallel_loop3A_1092 = tpu.vector_load %arg10[%parallel_loop3A_1090, %parallel_loop3A_1091] {strides = array<i32>} : memref<800x128xf32, #tpu.memory_space<vmem>>, vector<1x16xf32>,
        %parallel_loop3A_1093 = vector.shape_cast %parallel_loop3A_1092 : vector<1x16xf32> to vector<16xf32>
        %parallel_loop3A_1094 = arith.mulf %parallel_loop3A_1082, %parallel_loop3A_1093 : vector<16xf32>
        %parallel_loop3A_1095 = arith.addf %parallel_loop3A_1073, %parallel_loop3A_1094 : vector<16xf32>
        %parallel_loop3A_1096 = arith.index_cast %parallel_loop3A_1083 : i32 to index
        %parallel_loop3A_1097 = arith.constant 32 : index
        %parallel_loop3A_1098 = tpu.vector_load %arg10[%parallel_loop3A_1096, %parallel_loop3A_1097] {strides = array<i32>} : memref<800x128xf32, #tpu.memory_space<vmem>>, vector<1x16xf32>,
        %parallel_loop3A_1099 = vector.shape_cast %parallel_loop3A_1098 : vector<1x16xf32> to vector<16xf32>
        %parallel_loop3A_1100 = arith.mulf %parallel_loop3A_1082, %parallel_loop3A_1099 : vector<16xf32>
        %parallel_loop3A_1101 = arith.addf %parallel_loop3A_1074, %parallel_loop3A_1100 : vector<16xf32>
        %parallel_loop3A_1102 = arith.index_cast %parallel_loop3A_1083 : i32 to index
        %parallel_loop3A_1103 = arith.constant 48 : index
        %parallel_loop3A_1104 = tpu.vector_load %arg10[%parallel_loop3A_1102, %parallel_loop3A_1103] {strides = array<i32>} : memref<800x128xf32, #tpu.memory_space<vmem>>, vector<1x16xf32>,
        %parallel_loop3A_1105 = vector.shape_cast %parallel_loop3A_1104 : vector<1x16xf32> to vector<16xf32>
        %parallel_loop3A_1106 = arith.mulf %parallel_loop3A_1082, %parallel_loop3A_1105 : vector<16xf32>
        %parallel_loop3A_1107 = arith.addf %parallel_loop3A_1075, %parallel_loop3A_1106 : vector<16xf32>
        %parallel_loop3A_1108 = arith.index_cast %parallel_loop3A_1083 : i32 to index
        %parallel_loop3A_1109 = arith.constant 64 : index
        %parallel_loop3A_1110 = tpu.vector_load %arg10[%parallel_loop3A_1108, %parallel_loop3A_1109] {strides = array<i32>} : memref<800x128xf32, #tpu.memory_space<vmem>>, vector<1x16xf32>,
        %parallel_loop3A_1111 = vector.shape_cast %parallel_loop3A_1110 : vector<1x16xf32> to vector<16xf32>
        %parallel_loop3A_1112 = arith.mulf %parallel_loop3A_1082, %parallel_loop3A_1111 : vector<16xf32>
        %parallel_loop3A_1113 = arith.addf %parallel_loop3A_1076, %parallel_loop3A_1112 : vector<16xf32>
        %parallel_loop3A_1114 = arith.index_cast %parallel_loop3A_1083 : i32 to index
        %parallel_loop3A_1115 = arith.constant 80 : index
        %parallel_loop3A_1116 = tpu.vector_load %arg10[%parallel_loop3A_1114, %parallel_loop3A_1115] {strides = array<i32>} : memref<800x128xf32, #tpu.memory_space<vmem>>, vector<1x16xf32>,
        %parallel_loop3A_1117 = vector.shape_cast %parallel_loop3A_1116 : vector<1x16xf32> to vector<16xf32>
        %parallel_loop3A_1118 = arith.mulf %parallel_loop3A_1082, %parallel_loop3A_1117 : vector<16xf32>
        %parallel_loop3A_1119 = arith.addf %parallel_loop3A_1077, %parallel_loop3A_1118 : vector<16xf32>
        %parallel_loop3A_1120 = arith.index_cast %parallel_loop3A_1083 : i32 to index
        %parallel_loop3A_1121 = arith.constant 96 : index
        %parallel_loop3A_1122 = tpu.vector_load %arg10[%parallel_loop3A_1120, %parallel_loop3A_1121] {strides = array<i32>} : memref<800x128xf32, #tpu.memory_space<vmem>>, vector<1x16xf32>,
        %parallel_loop3A_1123 = vector.shape_cast %parallel_loop3A_1122 : vector<1x16xf32> to vector<16xf32>
        %parallel_loop3A_1124 = arith.mulf %parallel_loop3A_1082, %parallel_loop3A_1123 : vector<16xf32>
        %parallel_loop3A_1125 = arith.addf %parallel_loop3A_1078, %parallel_loop3A_1124 : vector<16xf32>
        %parallel_loop3A_1126 = arith.index_cast %parallel_loop3A_1083 : i32 to index
        %parallel_loop3A_1127 = arith.constant 112 : index
        %parallel_loop3A_1128 = tpu.vector_load %arg10[%parallel_loop3A_1126, %parallel_loop3A_1127] {strides = array<i32>} : memref<800x128xf32, #tpu.memory_space<vmem>>, vector<1x16xf32>,
        %parallel_loop3A_1129 = vector.shape_cast %parallel_loop3A_1128 : vector<1x16xf32> to vector<16xf32>
        %parallel_loop3A_1130 = arith.mulf %parallel_loop3A_1082, %parallel_loop3A_1129 : vector<16xf32>
        %parallel_loop3A_1131 = arith.addf %parallel_loop3A_1079, %parallel_loop3A_1130 : vector<16xf32>
        scf.yield %parallel_loop3A_1089, %parallel_loop3A_1095, %parallel_loop3A_1101, %parallel_loop3A_1107, %parallel_loop3A_1113, %parallel_loop3A_1119, %parallel_loop3A_1125, %parallel_loop3A_1131 : vector<16xf32>, vector<16xf32>, vector<16xf32>, vector<16xf32>, vector<16xf32>, vector<16xf32>, vector<16xf32>, vector<16xf32>
      } {sc.loop_unroll_factor = 4 : i64, sc.parallel_access}
      %mul3A_714 = arith.constant 64 : i32
      %mul3A_715 = arith.muli %add3A_655, %mul3A_714 : i32
      %add3A_716 = arith.constant 32 : i32
      %add3A_717 = arith.addi %mul3A_715, %add3A_716 : i32
      %get3A_718 = arith.index_cast %add3A_717 : i32 to index
      %get3A_719 = tpu.vector_load %arg8[%get3A_718] {strides = array<i32>} : memref<8192xf32, #tpu.memory_space<vmem>>, vector<16xf32>,
      %get3A_720 = vector.shape_cast %get3A_719 : vector<16xf32> to vector<16xf32>
      %mul3A_721 = arith.constant 100 : i32
      %mul3A_722 = arith.muli %rem3A_231, %mul3A_721 : i32
      %add3A_723 = arith.constant 50 : i32
      %add3A_724 = arith.addi %mul3A_722, %add3A_723 : i32
      %add3A_725 = arith.constant 32 : i32
      %add3A_726 = arith.addi %add3A_724, %add3A_725 : i32
      %parallel_loop3A_727 = arith.constant 0 : i32
      %parallel_loop3A_728 = arith.constant 16 : i32
      %parallel_loop3A_729 = arith.constant 1 : i32
      %parallel_loop3A_730:8 = scf.for %parallel_loop3A_1071 = %parallel_loop3A_727 to %parallel_loop3A_728 step %parallel_loop3A_729 iter_args(%parallel_loop3A_1072 = %parallel_loop3A_713#0, %parallel_loop3A_1073 = %parallel_loop3A_713#1, %parallel_loop3A_1074 = %parallel_loop3A_713#2, %parallel_loop3A_1075 = %parallel_loop3A_713#3, %parallel_loop3A_1076 = %parallel_loop3A_713#4, %parallel_loop3A_1077 = %parallel_loop3A_713#5, %parallel_loop3A_1078 = %parallel_loop3A_713#6, %parallel_loop3A_1079 = %parallel_loop3A_713#7) -> (vector<16xf32>, vector<16xf32>, vector<16xf32>, vector<16xf32>, vector<16xf32>, vector<16xf32>, vector<16xf32>, vector<16xf32>)  : i32 {
        %parallel_loop3A_1080 = vector.broadcast %parallel_loop3A_1071 : i32 to vector<16x1xi32>
        %parallel_loop3A_1081 = vector.shape_cast %parallel_loop3A_1080 : vector<16x1xi32> to vector<16xi32>
        %parallel_loop3A_1082 = tpu.dynamic_gather %get3A_720[%parallel_loop3A_1081] in [0] : vector<16xf32>, vector<16xi32> -> vector<16xf32>
        %parallel_loop3A_1083 = arith.addi %add3A_726, %parallel_loop3A_1071 : i32
        %parallel_loop3A_1084 = arith.index_cast %parallel_loop3A_1083 : i32 to index
        %parallel_loop3A_1085 = arith.constant 0 : index
        %parallel_loop3A_1086 = tpu.vector_load %arg10[%parallel_loop3A_1084, %parallel_loop3A_1085] {strides = array<i32>} : memref<800x128xf32, #tpu.memory_space<vmem>>, vector<1x16xf32>,
        %parallel_loop3A_1087 = vector.shape_cast %parallel_loop3A_1086 : vector<1x16xf32> to vector<16xf32>
        %parallel_loop3A_1088 = arith.mulf %parallel_loop3A_1082, %parallel_loop3A_1087 : vector<16xf32>
        %parallel_loop3A_1089 = arith.addf %parallel_loop3A_1072, %parallel_loop3A_1088 : vector<16xf32>
        %parallel_loop3A_1090 = arith.index_cast %parallel_loop3A_1083 : i32 to index
        %parallel_loop3A_1091 = arith.constant 16 : index
        %parallel_loop3A_1092 = tpu.vector_load %arg10[%parallel_loop3A_1090, %parallel_loop3A_1091] {strides = array<i32>} : memref<800x128xf32, #tpu.memory_space<vmem>>, vector<1x16xf32>,
        %parallel_loop3A_1093 = vector.shape_cast %parallel_loop3A_1092 : vector<1x16xf32> to vector<16xf32>
        %parallel_loop3A_1094 = arith.mulf %parallel_loop3A_1082, %parallel_loop3A_1093 : vector<16xf32>
        %parallel_loop3A_1095 = arith.addf %parallel_loop3A_1073, %parallel_loop3A_1094 : vector<16xf32>
        %parallel_loop3A_1096 = arith.index_cast %parallel_loop3A_1083 : i32 to index
        %parallel_loop3A_1097 = arith.constant 32 : index
        %parallel_loop3A_1098 = tpu.vector_load %arg10[%parallel_loop3A_1096, %parallel_loop3A_1097] {strides = array<i32>} : memref<800x128xf32, #tpu.memory_space<vmem>>, vector<1x16xf32>,
        %parallel_loop3A_1099 = vector.shape_cast %parallel_loop3A_1098 : vector<1x16xf32> to vector<16xf32>
        %parallel_loop3A_1100 = arith.mulf %parallel_loop3A_1082, %parallel_loop3A_1099 : vector<16xf32>
        %parallel_loop3A_1101 = arith.addf %parallel_loop3A_1074, %parallel_loop3A_1100 : vector<16xf32>
        %parallel_loop3A_1102 = arith.index_cast %parallel_loop3A_1083 : i32 to index
        %parallel_loop3A_1103 = arith.constant 48 : index
        %parallel_loop3A_1104 = tpu.vector_load %arg10[%parallel_loop3A_1102, %parallel_loop3A_1103] {strides = array<i32>} : memref<800x128xf32, #tpu.memory_space<vmem>>, vector<1x16xf32>,
        %parallel_loop3A_1105 = vector.shape_cast %parallel_loop3A_1104 : vector<1x16xf32> to vector<16xf32>
        %parallel_loop3A_1106 = arith.mulf %parallel_loop3A_1082, %parallel_loop3A_1105 : vector<16xf32>
        %parallel_loop3A_1107 = arith.addf %parallel_loop3A_1075, %parallel_loop3A_1106 : vector<16xf32>
        %parallel_loop3A_1108 = arith.index_cast %parallel_loop3A_1083 : i32 to index
        %parallel_loop3A_1109 = arith.constant 64 : index
        %parallel_loop3A_1110 = tpu.vector_load %arg10[%parallel_loop3A_1108, %parallel_loop3A_1109] {strides = array<i32>} : memref<800x128xf32, #tpu.memory_space<vmem>>, vector<1x16xf32>,
        %parallel_loop3A_1111 = vector.shape_cast %parallel_loop3A_1110 : vector<1x16xf32> to vector<16xf32>
        %parallel_loop3A_1112 = arith.mulf %parallel_loop3A_1082, %parallel_loop3A_1111 : vector<16xf32>
        %parallel_loop3A_1113 = arith.addf %parallel_loop3A_1076, %parallel_loop3A_1112 : vector<16xf32>
        %parallel_loop3A_1114 = arith.index_cast %parallel_loop3A_1083 : i32 to index
        %parallel_loop3A_1115 = arith.constant 80 : index
        %parallel_loop3A_1116 = tpu.vector_load %arg10[%parallel_loop3A_1114, %parallel_loop3A_1115] {strides = array<i32>} : memref<800x128xf32, #tpu.memory_space<vmem>>, vector<1x16xf32>,
        %parallel_loop3A_1117 = vector.shape_cast %parallel_loop3A_1116 : vector<1x16xf32> to vector<16xf32>
        %parallel_loop3A_1118 = arith.mulf %parallel_loop3A_1082, %parallel_loop3A_1117 : vector<16xf32>
        %parallel_loop3A_1119 = arith.addf %parallel_loop3A_1077, %parallel_loop3A_1118 : vector<16xf32>
        %parallel_loop3A_1120 = arith.index_cast %parallel_loop3A_1083 : i32 to index
        %parallel_loop3A_1121 = arith.constant 96 : index
        %parallel_loop3A_1122 = tpu.vector_load %arg10[%parallel_loop3A_1120, %parallel_loop3A_1121] {strides = array<i32>} : memref<800x128xf32, #tpu.memory_space<vmem>>, vector<1x16xf32>,
        %parallel_loop3A_1123 = vector.shape_cast %parallel_loop3A_1122 : vector<1x16xf32> to vector<16xf32>
        %parallel_loop3A_1124 = arith.mulf %parallel_loop3A_1082, %parallel_loop3A_1123 : vector<16xf32>
        %parallel_loop3A_1125 = arith.addf %parallel_loop3A_1078, %parallel_loop3A_1124 : vector<16xf32>
        %parallel_loop3A_1126 = arith.index_cast %parallel_loop3A_1083 : i32 to index
        %parallel_loop3A_1127 = arith.constant 112 : index
        %parallel_loop3A_1128 = tpu.vector_load %arg10[%parallel_loop3A_1126, %parallel_loop3A_1127] {strides = array<i32>} : memref<800x128xf32, #tpu.memory_space<vmem>>, vector<1x16xf32>,
        %parallel_loop3A_1129 = vector.shape_cast %parallel_loop3A_1128 : vector<1x16xf32> to vector<16xf32>
        %parallel_loop3A_1130 = arith.mulf %parallel_loop3A_1082, %parallel_loop3A_1129 : vector<16xf32>
        %parallel_loop3A_1131 = arith.addf %parallel_loop3A_1079, %parallel_loop3A_1130 : vector<16xf32>
        scf.yield %parallel_loop3A_1089, %parallel_loop3A_1095, %parallel_loop3A_1101, %parallel_loop3A_1107, %parallel_loop3A_1113, %parallel_loop3A_1119, %parallel_loop3A_1125, %parallel_loop3A_1131 : vector<16xf32>, vector<16xf32>, vector<16xf32>, vector<16xf32>, vector<16xf32>, vector<16xf32>, vector<16xf32>, vector<16xf32>
      } {sc.loop_unroll_factor = 4 : i64, sc.parallel_access}
      %mul3A_731 = arith.constant 64 : i32
      %mul3A_732 = arith.muli %add3A_655, %mul3A_731 : i32
      %add3A_733 = arith.constant 48 : i32
      %add3A_734 = arith.addi %mul3A_732, %add3A_733 : i32
      %get3A_735 = arith.index_cast %add3A_734 : i32 to index
      %get3A_736 = tpu.vector_load %arg8[%get3A_735] {strides = array<i32>} : memref<8192xf32, #tpu.memory_space<vmem>>, vector<16xf32>,
      %get3A_737 = vector.shape_cast %get3A_736 : vector<16xf32> to vector<16xf32>
      %slice3A_738 = vector.extract_strided_slice %get3A_737 {offsets = [0], sizes = [1], strides = [1]} : vector<16xf32> to vector<1xf32>
      %squeeze3A_739 = vector.extract %slice3A_738[0] : f32 from vector<1xf32>
      %mul3A_740 = arith.constant 100 : i32
      %mul3A_741 = arith.muli %rem3A_231, %mul3A_740 : i32
      %add3A_742 = arith.constant 50 : i32
      %add3A_743 = arith.addi %mul3A_741, %add3A_742 : i32
      %add3A_744 = arith.constant 48 : i32
      %add3A_745 = arith.addi %add3A_743, %add3A_744 : i32
      %add3A_746 = arith.constant 0 : i32
      %add3A_747 = arith.addi %add3A_745, %add3A_746 : i32
      %get3A_748 = arith.index_cast %add3A_747 : i32 to index
      %get3A_749 = arith.constant 0 : index
      %get3A_750 = tpu.vector_load %arg10[%get3A_748, %get3A_749] {strides = array<i32>} : memref<800x128xf32, #tpu.memory_space<vmem>>, vector<1x16xf32>,
      %get3A_751 = vector.shape_cast %get3A_750 : vector<1x16xf32> to vector<16xf32>
      %mul3A_752 = vector.broadcast %squeeze3A_739 : f32 to vector<16xf32>
      %mul3A_753 = arith.mulf %mul3A_752, %get3A_751 : vector<16xf32>
      %add3A_754 = arith.addf %parallel_loop3A_730#0, %mul3A_753 : vector<16xf32>
      %mul3A_755 = arith.constant 100 : i32
      %mul3A_756 = arith.muli %rem3A_231, %mul3A_755 : i32
      %add3A_757 = arith.constant 50 : i32
      %add3A_758 = arith.addi %mul3A_756, %add3A_757 : i32
      %add3A_759 = arith.constant 48 : i32
      %add3A_760 = arith.addi %add3A_758, %add3A_759 : i32
      %add3A_761 = arith.constant 0 : i32
      %add3A_762 = arith.addi %add3A_760, %add3A_761 : i32
      %get3A_763 = arith.index_cast %add3A_762 : i32 to index
      %get3A_764 = arith.constant 16 : index
      %get3A_765 = tpu.vector_load %arg10[%get3A_763, %get3A_764] {strides = array<i32>} : memref<800x128xf32, #tpu.memory_space<vmem>>, vector<1x16xf32>,
      %get3A_766 = vector.shape_cast %get3A_765 : vector<1x16xf32> to vector<16xf32>
      %mul3A_767 = vector.broadcast %squeeze3A_739 : f32 to vector<16xf32>
      %mul3A_768 = arith.mulf %mul3A_767, %get3A_766 : vector<16xf32>
      %add3A_769 = arith.addf %parallel_loop3A_730#1, %mul3A_768 : vector<16xf32>
      %mul3A_770 = arith.constant 100 : i32
      %mul3A_771 = arith.muli %rem3A_231, %mul3A_770 : i32
      %add3A_772 = arith.constant 50 : i32
      %add3A_773 = arith.addi %mul3A_771, %add3A_772 : i32
      %add3A_774 = arith.constant 48 : i32
      %add3A_775 = arith.addi %add3A_773, %add3A_774 : i32
      %add3A_776 = arith.constant 0 : i32
      %add3A_777 = arith.addi %add3A_775, %add3A_776 : i32
      %get3A_778 = arith.index_cast %add3A_777 : i32 to index
      %get3A_779 = arith.constant 32 : index
      %get3A_780 = tpu.vector_load %arg10[%get3A_778, %get3A_779] {strides = array<i32>} : memref<800x128xf32, #tpu.memory_space<vmem>>, vector<1x16xf32>,
      %get3A_781 = vector.shape_cast %get3A_780 : vector<1x16xf32> to vector<16xf32>
      %mul3A_782 = vector.broadcast %squeeze3A_739 : f32 to vector<16xf32>
      %mul3A_783 = arith.mulf %mul3A_782, %get3A_781 : vector<16xf32>
      %add3A_784 = arith.addf %parallel_loop3A_730#2, %mul3A_783 : vector<16xf32>
      %mul3A_785 = arith.constant 100 : i32
      %mul3A_786 = arith.muli %rem3A_231, %mul3A_785 : i32
      %add3A_787 = arith.constant 50 : i32
      %add3A_788 = arith.addi %mul3A_786, %add3A_787 : i32
      %add3A_789 = arith.constant 48 : i32
      %add3A_790 = arith.addi %add3A_788, %add3A_789 : i32
      %add3A_791 = arith.constant 0 : i32
      %add3A_792 = arith.addi %add3A_790, %add3A_791 : i32
      %get3A_793 = arith.index_cast %add3A_792 : i32 to index
      %get3A_794 = arith.constant 48 : index
      %get3A_795 = tpu.vector_load %arg10[%get3A_793, %get3A_794] {strides = array<i32>} : memref<800x128xf32, #tpu.memory_space<vmem>>, vector<1x16xf32>,
      %get3A_796 = vector.shape_cast %get3A_795 : vector<1x16xf32> to vector<16xf32>
      %mul3A_797 = vector.broadcast %squeeze3A_739 : f32 to vector<16xf32>
      %mul3A_798 = arith.mulf %mul3A_797, %get3A_796 : vector<16xf32>
      %add3A_799 = arith.addf %parallel_loop3A_730#3, %mul3A_798 : vector<16xf32>
      %mul3A_800 = arith.constant 100 : i32
      %mul3A_801 = arith.muli %rem3A_231, %mul3A_800 : i32
      %add3A_802 = arith.constant 50 : i32
      %add3A_803 = arith.addi %mul3A_801, %add3A_802 : i32
      %add3A_804 = arith.constant 48 : i32
      %add3A_805 = arith.addi %add3A_803, %add3A_804 : i32
      %add3A_806 = arith.constant 0 : i32
      %add3A_807 = arith.addi %add3A_805, %add3A_806 : i32
      %get3A_808 = arith.index_cast %add3A_807 : i32 to index
      %get3A_809 = arith.constant 64 : index
      %get3A_810 = tpu.vector_load %arg10[%get3A_808, %get3A_809] {strides = array<i32>} : memref<800x128xf32, #tpu.memory_space<vmem>>, vector<1x16xf32>,
      %get3A_811 = vector.shape_cast %get3A_810 : vector<1x16xf32> to vector<16xf32>
      %mul3A_812 = vector.broadcast %squeeze3A_739 : f32 to vector<16xf32>
      %mul3A_813 = arith.mulf %mul3A_812, %get3A_811 : vector<16xf32>
      %add3A_814 = arith.addf %parallel_loop3A_730#4, %mul3A_813 : vector<16xf32>
      %mul3A_815 = arith.constant 100 : i32
      %mul3A_816 = arith.muli %rem3A_231, %mul3A_815 : i32
      %add3A_817 = arith.constant 50 : i32
      %add3A_818 = arith.addi %mul3A_816, %add3A_817 : i32
      %add3A_819 = arith.constant 48 : i32
      %add3A_820 = arith.addi %add3A_818, %add3A_819 : i32
      %add3A_821 = arith.constant 0 : i32
      %add3A_822 = arith.addi %add3A_820, %add3A_821 : i32
      %get3A_823 = arith.index_cast %add3A_822 : i32 to index
      %get3A_824 = arith.constant 80 : index
      %get3A_825 = tpu.vector_load %arg10[%get3A_823, %get3A_824] {strides = array<i32>} : memref<800x128xf32, #tpu.memory_space<vmem>>, vector<1x16xf32>,
      %get3A_826 = vector.shape_cast %get3A_825 : vector<1x16xf32> to vector<16xf32>
      %mul3A_827 = vector.broadcast %squeeze3A_739 : f32 to vector<16xf32>
      %mul3A_828 = arith.mulf %mul3A_827, %get3A_826 : vector<16xf32>
      %add3A_829 = arith.addf %parallel_loop3A_730#5, %mul3A_828 : vector<16xf32>
      %mul3A_830 = arith.constant 100 : i32
      %mul3A_831 = arith.muli %rem3A_231, %mul3A_830 : i32
      %add3A_832 = arith.constant 50 : i32
      %add3A_833 = arith.addi %mul3A_831, %add3A_832 : i32
      %add3A_834 = arith.constant 48 : i32
      %add3A_835 = arith.addi %add3A_833, %add3A_834 : i32
      %add3A_836 = arith.constant 0 : i32
      %add3A_837 = arith.addi %add3A_835, %add3A_836 : i32
      %get3A_838 = arith.index_cast %add3A_837 : i32 to index
      %get3A_839 = arith.constant 96 : index
      %get3A_840 = tpu.vector_load %arg10[%get3A_838, %get3A_839] {strides = array<i32>} : memref<800x128xf32, #tpu.memory_space<vmem>>, vector<1x16xf32>,
      %get3A_841 = vector.shape_cast %get3A_840 : vector<1x16xf32> to vector<16xf32>
      %mul3A_842 = vector.broadcast %squeeze3A_739 : f32 to vector<16xf32>
      %mul3A_843 = arith.mulf %mul3A_842, %get3A_841 : vector<16xf32>
      %add3A_844 = arith.addf %parallel_loop3A_730#6, %mul3A_843 : vector<16xf32>
      %mul3A_845 = arith.constant 100 : i32
      %mul3A_846 = arith.muli %rem3A_231, %mul3A_845 : i32
      %add3A_847 = arith.constant 50 : i32
      %add3A_848 = arith.addi %mul3A_846, %add3A_847 : i32
      %add3A_849 = arith.constant 48 : i32
      %add3A_850 = arith.addi %add3A_848, %add3A_849 : i32
      %add3A_851 = arith.constant 0 : i32
      %add3A_852 = arith.addi %add3A_850, %add3A_851 : i32
      %get3A_853 = arith.index_cast %add3A_852 : i32 to index
      %get3A_854 = arith.constant 112 : index
      %get3A_855 = tpu.vector_load %arg10[%get3A_853, %get3A_854] {strides = array<i32>} : memref<800x128xf32, #tpu.memory_space<vmem>>, vector<1x16xf32>,
      %get3A_856 = vector.shape_cast %get3A_855 : vector<1x16xf32> to vector<16xf32>
      %mul3A_857 = vector.broadcast %squeeze3A_739 : f32 to vector<16xf32>
      %mul3A_858 = arith.mulf %mul3A_857, %get3A_856 : vector<16xf32>
      %add3A_859 = arith.addf %parallel_loop3A_730#7, %mul3A_858 : vector<16xf32>
      %slice3A_860 = vector.extract_strided_slice %get3A_737 {offsets = [1], sizes = [1], strides = [1]} : vector<16xf32> to vector<1xf32>
      %squeeze3A_861 = vector.extract %slice3A_860[0] : f32 from vector<1xf32>
      %mul3A_862 = arith.constant 100 : i32
      %mul3A_863 = arith.muli %rem3A_231, %mul3A_862 : i32
      %add3A_864 = arith.constant 50 : i32
      %add3A_865 = arith.addi %mul3A_863, %add3A_864 : i32
      %add3A_866 = arith.constant 48 : i32
      %add3A_867 = arith.addi %add3A_865, %add3A_866 : i32
      %add3A_868 = arith.constant 1 : i32
      %add3A_869 = arith.addi %add3A_867, %add3A_868 : i32
      %get3A_870 = arith.index_cast %add3A_869 : i32 to index
      %get3A_871 = arith.constant 0 : index
      %get3A_872 = tpu.vector_load %arg10[%get3A_870, %get3A_871] {strides = array<i32>} : memref<800x128xf32, #tpu.memory_space<vmem>>, vector<1x16xf32>,
      %get3A_873 = vector.shape_cast %get3A_872 : vector<1x16xf32> to vector<16xf32>
      %mul3A_874 = vector.broadcast %squeeze3A_861 : f32 to vector<16xf32>
      %mul3A_875 = arith.mulf %mul3A_874, %get3A_873 : vector<16xf32>
      %add3A_876 = arith.addf %add3A_754, %mul3A_875 : vector<16xf32>
      %mul3A_877 = arith.constant 100 : i32
      %mul3A_878 = arith.muli %rem3A_231, %mul3A_877 : i32
      %add3A_879 = arith.constant 50 : i32
      %add3A_880 = arith.addi %mul3A_878, %add3A_879 : i32
      %add3A_881 = arith.constant 48 : i32
      %add3A_882 = arith.addi %add3A_880, %add3A_881 : i32
      %add3A_883 = arith.constant 1 : i32
      %add3A_884 = arith.addi %add3A_882, %add3A_883 : i32
      %get3A_885 = arith.index_cast %add3A_884 : i32 to index
      %get3A_886 = arith.constant 16 : index
      %get3A_887 = tpu.vector_load %arg10[%get3A_885, %get3A_886] {strides = array<i32>} : memref<800x128xf32, #tpu.memory_space<vmem>>, vector<1x16xf32>,
      %get3A_888 = vector.shape_cast %get3A_887 : vector<1x16xf32> to vector<16xf32>
      %mul3A_889 = vector.broadcast %squeeze3A_861 : f32 to vector<16xf32>
      %mul3A_890 = arith.mulf %mul3A_889, %get3A_888 : vector<16xf32>
      %add3A_891 = arith.addf %add3A_769, %mul3A_890 : vector<16xf32>
      %mul3A_892 = arith.constant 100 : i32
      %mul3A_893 = arith.muli %rem3A_231, %mul3A_892 : i32
      %add3A_894 = arith.constant 50 : i32
      %add3A_895 = arith.addi %mul3A_893, %add3A_894 : i32
      %add3A_896 = arith.constant 48 : i32
      %add3A_897 = arith.addi %add3A_895, %add3A_896 : i32
      %add3A_898 = arith.constant 1 : i32
      %add3A_899 = arith.addi %add3A_897, %add3A_898 : i32
      %get3A_900 = arith.index_cast %add3A_899 : i32 to index
      %get3A_901 = arith.constant 32 : index
      %get3A_902 = tpu.vector_load %arg10[%get3A_900, %get3A_901] {strides = array<i32>} : memref<800x128xf32, #tpu.memory_space<vmem>>, vector<1x16xf32>,
      %get3A_903 = vector.shape_cast %get3A_902 : vector<1x16xf32> to vector<16xf32>
      %mul3A_904 = vector.broadcast %squeeze3A_861 : f32 to vector<16xf32>
      %mul3A_905 = arith.mulf %mul3A_904, %get3A_903 : vector<16xf32>
      %add3A_906 = arith.addf %add3A_784, %mul3A_905 : vector<16xf32>
      %mul3A_907 = arith.constant 100 : i32
      %mul3A_908 = arith.muli %rem3A_231, %mul3A_907 : i32
      %add3A_909 = arith.constant 50 : i32
      %add3A_910 = arith.addi %mul3A_908, %add3A_909 : i32
      %add3A_911 = arith.constant 48 : i32
      %add3A_912 = arith.addi %add3A_910, %add3A_911 : i32
      %add3A_913 = arith.constant 1 : i32
      %add3A_914 = arith.addi %add3A_912, %add3A_913 : i32
      %get3A_915 = arith.index_cast %add3A_914 : i32 to index
      %get3A_916 = arith.constant 48 : index
      %get3A_917 = tpu.vector_load %arg10[%get3A_915, %get3A_916] {strides = array<i32>} : memref<800x128xf32, #tpu.memory_space<vmem>>, vector<1x16xf32>,
      %get3A_918 = vector.shape_cast %get3A_917 : vector<1x16xf32> to vector<16xf32>
      %mul3A_919 = vector.broadcast %squeeze3A_861 : f32 to vector<16xf32>
      %mul3A_920 = arith.mulf %mul3A_919, %get3A_918 : vector<16xf32>
      %add3A_921 = arith.addf %add3A_799, %mul3A_920 : vector<16xf32>
      %mul3A_922 = arith.constant 100 : i32
      %mul3A_923 = arith.muli %rem3A_231, %mul3A_922 : i32
      %add3A_924 = arith.constant 50 : i32
      %add3A_925 = arith.addi %mul3A_923, %add3A_924 : i32
      %add3A_926 = arith.constant 48 : i32
      %add3A_927 = arith.addi %add3A_925, %add3A_926 : i32
      %add3A_928 = arith.constant 1 : i32
      %add3A_929 = arith.addi %add3A_927, %add3A_928 : i32
      %get3A_930 = arith.index_cast %add3A_929 : i32 to index
      %get3A_931 = arith.constant 64 : index
      %get3A_932 = tpu.vector_load %arg10[%get3A_930, %get3A_931] {strides = array<i32>} : memref<800x128xf32, #tpu.memory_space<vmem>>, vector<1x16xf32>,
      %get3A_933 = vector.shape_cast %get3A_932 : vector<1x16xf32> to vector<16xf32>
      %mul3A_934 = vector.broadcast %squeeze3A_861 : f32 to vector<16xf32>
      %mul3A_935 = arith.mulf %mul3A_934, %get3A_933 : vector<16xf32>
      %add3A_936 = arith.addf %add3A_814, %mul3A_935 : vector<16xf32>
      %mul3A_937 = arith.constant 100 : i32
      %mul3A_938 = arith.muli %rem3A_231, %mul3A_937 : i32
      %add3A_939 = arith.constant 50 : i32
      %add3A_940 = arith.addi %mul3A_938, %add3A_939 : i32
      %add3A_941 = arith.constant 48 : i32
      %add3A_942 = arith.addi %add3A_940, %add3A_941 : i32
      %add3A_943 = arith.constant 1 : i32
      %add3A_944 = arith.addi %add3A_942, %add3A_943 : i32
      %get3A_945 = arith.index_cast %add3A_944 : i32 to index
      %get3A_946 = arith.constant 80 : index
      %get3A_947 = tpu.vector_load %arg10[%get3A_945, %get3A_946] {strides = array<i32>} : memref<800x128xf32, #tpu.memory_space<vmem>>, vector<1x16xf32>,
      %get3A_948 = vector.shape_cast %get3A_947 : vector<1x16xf32> to vector<16xf32>
      %mul3A_949 = vector.broadcast %squeeze3A_861 : f32 to vector<16xf32>
      %mul3A_950 = arith.mulf %mul3A_949, %get3A_948 : vector<16xf32>
      %add3A_951 = arith.addf %add3A_829, %mul3A_950 : vector<16xf32>
      %mul3A_952 = arith.constant 100 : i32
      %mul3A_953 = arith.muli %rem3A_231, %mul3A_952 : i32
      %add3A_954 = arith.constant 50 : i32
      %add3A_955 = arith.addi %mul3A_953, %add3A_954 : i32
      %add3A_956 = arith.constant 48 : i32
      %add3A_957 = arith.addi %add3A_955, %add3A_956 : i32
      %add3A_958 = arith.constant 1 : i32
      %add3A_959 = arith.addi %add3A_957, %add3A_958 : i32
      %get3A_960 = arith.index_cast %add3A_959 : i32 to index
      %get3A_961 = arith.constant 96 : index
      %get3A_962 = tpu.vector_load %arg10[%get3A_960, %get3A_961] {strides = array<i32>} : memref<800x128xf32, #tpu.memory_space<vmem>>, vector<1x16xf32>,
      %get3A_963 = vector.shape_cast %get3A_962 : vector<1x16xf32> to vector<16xf32>
      %mul3A_964 = vector.broadcast %squeeze3A_861 : f32 to vector<16xf32>
      %mul3A_965 = arith.mulf %mul3A_964, %get3A_963 : vector<16xf32>
      %add3A_966 = arith.addf %add3A_844, %mul3A_965 : vector<16xf32>
      %mul3A_967 = arith.constant 100 : i32
      %mul3A_968 = arith.muli %rem3A_231, %mul3A_967 : i32
      %add3A_969 = arith.constant 50 : i32
      %add3A_970 = arith.addi %mul3A_968, %add3A_969 : i32
      %add3A_971 = arith.constant 48 : i32
      %add3A_972 = arith.addi %add3A_970, %add3A_971 : i32
      %add3A_973 = arith.constant 1 : i32
      %add3A_974 = arith.addi %add3A_972, %add3A_973 : i32
      %get3A_975 = arith.index_cast %add3A_974 : i32 to index
      %get3A_976 = arith.constant 112 : index
      %get3A_977 = tpu.vector_load %arg10[%get3A_975, %get3A_976] {strides = array<i32>} : memref<800x128xf32, #tpu.memory_space<vmem>>, vector<1x16xf32>,
      %get3A_978 = vector.shape_cast %get3A_977 : vector<1x16xf32> to vector<16xf32>
      %mul3A_979 = vector.broadcast %squeeze3A_861 : f32 to vector<16xf32>
      %mul3A_980 = arith.mulf %mul3A_979, %get3A_978 : vector<16xf32>
      %add3A_981 = arith.addf %add3A_859, %mul3A_980 : vector<16xf32>
      %mul3A_982 = arith.constant 2 : i32
      %mul3A_983 = arith.muli %rem3A_231, %mul3A_982 : i32
      %add3A_984 = arith.constant 1 : i32
      %add3A_985 = arith.addi %mul3A_983, %add3A_984 : i32
      %swap3A_986 = arith.index_cast %add3A_985 : i32 to index
      %swap3A_987 = arith.constant 0 : index
      %swap3A_988 = tpu.vector_load %arg11[%swap3A_986, %swap3A_987] {strides = array<i32>} : memref<16x128xf32, #tpu.memory_space<vmem>>, vector<1x16xf32>,
      %swap3A_989 = vector.shape_cast %swap3A_988 : vector<1x16xf32> to vector<16xf32>
      %swap3A_990 = vector.shape_cast %add3A_876 : vector<16xf32> to vector<1x16xf32>
      tpu.vector_store %arg11[%swap3A_986, %swap3A_987], %swap3A_990 {strides = array<i32>} : memref<16x128xf32, #tpu.memory_space<vmem>>, vector<1x16xf32>,
      %mul3A_991 = arith.constant 2 : i32
      %mul3A_992 = arith.muli %rem3A_231, %mul3A_991 : i32
      %add3A_993 = arith.constant 1 : i32
      %add3A_994 = arith.addi %mul3A_992, %add3A_993 : i32
      %swap3A_995 = arith.index_cast %add3A_994 : i32 to index
      %swap3A_996 = arith.constant 16 : index
      %swap3A_997 = tpu.vector_load %arg11[%swap3A_995, %swap3A_996] {strides = array<i32>} : memref<16x128xf32, #tpu.memory_space<vmem>>, vector<1x16xf32>,
      %swap3A_998 = vector.shape_cast %swap3A_997 : vector<1x16xf32> to vector<16xf32>
      %swap3A_999 = vector.shape_cast %add3A_891 : vector<16xf32> to vector<1x16xf32>
      tpu.vector_store %arg11[%swap3A_995, %swap3A_996], %swap3A_999 {strides = array<i32>} : memref<16x128xf32, #tpu.memory_space<vmem>>, vector<1x16xf32>,
      %mul3A_1000 = arith.constant 2 : i32
      %mul3A_1001 = arith.muli %rem3A_231, %mul3A_1000 : i32
      %add3A_1002 = arith.constant 1 : i32
      %add3A_1003 = arith.addi %mul3A_1001, %add3A_1002 : i32
      %swap3A_1004 = arith.index_cast %add3A_1003 : i32 to index
      %swap3A_1005 = arith.constant 32 : index
      %swap3A_1006 = tpu.vector_load %arg11[%swap3A_1004, %swap3A_1005] {strides = array<i32>} : memref<16x128xf32, #tpu.memory_space<vmem>>, vector<1x16xf32>,
      %swap3A_1007 = vector.shape_cast %swap3A_1006 : vector<1x16xf32> to vector<16xf32>
      %swap3A_1008 = vector.shape_cast %add3A_906 : vector<16xf32> to vector<1x16xf32>
      tpu.vector_store %arg11[%swap3A_1004, %swap3A_1005], %swap3A_1008 {strides = array<i32>} : memref<16x128xf32, #tpu.memory_space<vmem>>, vector<1x16xf32>,
      %mul3A_1009 = arith.constant 2 : i32
      %mul3A_1010 = arith.muli %rem3A_231, %mul3A_1009 : i32
      %add3A_1011 = arith.constant 1 : i32
      %add3A_1012 = arith.addi %mul3A_1010, %add3A_1011 : i32
      %swap3A_1013 = arith.index_cast %add3A_1012 : i32 to index
      %swap3A_1014 = arith.constant 48 : index
      %swap3A_1015 = tpu.vector_load %arg11[%swap3A_1013, %swap3A_1014] {strides = array<i32>} : memref<16x128xf32, #tpu.memory_space<vmem>>, vector<1x16xf32>,
      %swap3A_1016 = vector.shape_cast %swap3A_1015 : vector<1x16xf32> to vector<16xf32>
      %swap3A_1017 = vector.shape_cast %add3A_921 : vector<16xf32> to vector<1x16xf32>
      tpu.vector_store %arg11[%swap3A_1013, %swap3A_1014], %swap3A_1017 {strides = array<i32>} : memref<16x128xf32, #tpu.memory_space<vmem>>, vector<1x16xf32>,
      %mul3A_1018 = arith.constant 2 : i32
      %mul3A_1019 = arith.muli %rem3A_231, %mul3A_1018 : i32
      %add3A_1020 = arith.constant 1 : i32
      %add3A_1021 = arith.addi %mul3A_1019, %add3A_1020 : i32
      %swap3A_1022 = arith.index_cast %add3A_1021 : i32 to index
      %swap3A_1023 = arith.constant 64 : index
      %swap3A_1024 = tpu.vector_load %arg11[%swap3A_1022, %swap3A_1023] {strides = array<i32>} : memref<16x128xf32, #tpu.memory_space<vmem>>, vector<1x16xf32>,
      %swap3A_1025 = vector.shape_cast %swap3A_1024 : vector<1x16xf32> to vector<16xf32>
      %swap3A_1026 = vector.shape_cast %add3A_936 : vector<16xf32> to vector<1x16xf32>
      tpu.vector_store %arg11[%swap3A_1022, %swap3A_1023], %swap3A_1026 {strides = array<i32>} : memref<16x128xf32, #tpu.memory_space<vmem>>, vector<1x16xf32>,
      %mul3A_1027 = arith.constant 2 : i32
      %mul3A_1028 = arith.muli %rem3A_231, %mul3A_1027 : i32
      %add3A_1029 = arith.constant 1 : i32
      %add3A_1030 = arith.addi %mul3A_1028, %add3A_1029 : i32
      %swap3A_1031 = arith.index_cast %add3A_1030 : i32 to index
      %swap3A_1032 = arith.constant 80 : index
      %swap3A_1033 = tpu.vector_load %arg11[%swap3A_1031, %swap3A_1032] {strides = array<i32>} : memref<16x128xf32, #tpu.memory_space<vmem>>, vector<1x16xf32>,
      %swap3A_1034 = vector.shape_cast %swap3A_1033 : vector<1x16xf32> to vector<16xf32>
      %swap3A_1035 = vector.shape_cast %add3A_951 : vector<16xf32> to vector<1x16xf32>
      tpu.vector_store %arg11[%swap3A_1031, %swap3A_1032], %swap3A_1035 {strides = array<i32>} : memref<16x128xf32, #tpu.memory_space<vmem>>, vector<1x16xf32>,
      %mul3A_1036 = arith.constant 2 : i32
      %mul3A_1037 = arith.muli %rem3A_231, %mul3A_1036 : i32
      %add3A_1038 = arith.constant 1 : i32
      %add3A_1039 = arith.addi %mul3A_1037, %add3A_1038 : i32
      %swap3A_1040 = arith.index_cast %add3A_1039 : i32 to index
      %swap3A_1041 = arith.constant 96 : index
      %swap3A_1042 = tpu.vector_load %arg11[%swap3A_1040, %swap3A_1041] {strides = array<i32>} : memref<16x128xf32, #tpu.memory_space<vmem>>, vector<1x16xf32>,
      %swap3A_1043 = vector.shape_cast %swap3A_1042 : vector<1x16xf32> to vector<16xf32>
      %swap3A_1044 = vector.shape_cast %add3A_966 : vector<16xf32> to vector<1x16xf32>
      tpu.vector_store %arg11[%swap3A_1040, %swap3A_1041], %swap3A_1044 {strides = array<i32>} : memref<16x128xf32, #tpu.memory_space<vmem>>, vector<1x16xf32>,
      %mul3A_1045 = arith.constant 2 : i32
      %mul3A_1046 = arith.muli %rem3A_231, %mul3A_1045 : i32
      %add3A_1047 = arith.constant 1 : i32
      %add3A_1048 = arith.addi %mul3A_1046, %add3A_1047 : i32
      %swap3A_1049 = arith.index_cast %add3A_1048 : i32 to index
      %swap3A_1050 = arith.constant 112 : index
      %swap3A_1051 = tpu.vector_load %arg11[%swap3A_1049, %swap3A_1050] {strides = array<i32>} : memref<16x128xf32, #tpu.memory_space<vmem>>, vector<1x16xf32>,
      %swap3A_1052 = vector.shape_cast %swap3A_1051 : vector<1x16xf32> to vector<16xf32>
      %swap3A_1053 = vector.shape_cast %add3A_981 : vector<16xf32> to vector<1x16xf32>
      tpu.vector_store %arg11[%swap3A_1049, %swap3A_1050], %swap3A_1053 {strides = array<i32>} : memref<16x128xf32, #tpu.memory_space<vmem>>, vector<1x16xf32>,
      %mul3A_1054 = arith.constant 2 : i32
      %mul3A_1055 = arith.muli %rem3A_231, %mul3A_1054 : i32
      %mul3A_1056 = arith.constant 128 : i32
      %mul3A_1057 = arith.muli %add3A, %mul3A_1056 : i32
      %mul3A_1058 = arith.constant 2 : i32
      %mul3A_1059 = arith.muli %mul3A_1058, %scan3A_230 : i32
      %add3A_1060 = arith.addi %mul3A_1057, %mul3A_1059 : i32
      %dma_start3A_1061 = arith.constant 0 : i32
      %dma_start3A_1062 = tpu.memref_slice %arg11[%mul3A_1055, %dma_start3A_1061] : memref<16x128xf32, #tpu.memory_space<vmem>> -> memref<2x128xf32, #tpu.memory_space<vmem>>
      %dma_start3A_1063 = arith.constant 0 : i32
      %dma_start3A_1064 = tpu.memref_slice %arg6[%add3A_1060, %dma_start3A_1063] : memref<4096x128xf32, #tpu.memory_space<hbm>> -> memref<2x128xf32, #tpu.memory_space<hbm>>
      %dma_start3A_1065 = tpu.memref_slice %arg13[%rem3A_231] : memref<8x!tpu.dma_semaphore, #tpu.memory_space<semaphore_mem>> -> memref<1x!tpu.dma_semaphore, #tpu.memory_space<semaphore_mem>>
      %dma_start3A_1066 = tpu.memref_squeeze %dma_start3A_1065 : memref<1x!tpu.dma_semaphore, #tpu.memory_space<semaphore_mem>> -> memref<!tpu.dma_semaphore, #tpu.memory_space<semaphore_mem>>
      %dma_start3A_1067 = arith.constant 0 : i32
      %dma_start3A_1068 = tpu.memref_slice %arg6[%add3A_1060, %dma_start3A_1067] : memref<4096x128xf32, #tpu.memory_space<hbm>> -> memref<2x128xf32, #tpu.memory_space<hbm>>
      %dma_start3A_1069 = arith.constant 0 : i32
      %dma_start3A_1070 = tpu.memref_slice %arg11[%mul3A_1055, %dma_start3A_1069] : memref<16x128xf32, #tpu.memory_space<vmem>> -> memref<2x128xf32, #tpu.memory_space<vmem>>
      tpu.enqueue_dma source(%dma_start3A_1070 : memref<2x128xf32, #tpu.memory_space<vmem>>) target(%dma_start3A_1068 : memref<2x128xf32, #tpu.memory_space<hbm>>) target_semaphore(%dma_start3A_1066 : memref<!tpu.dma_semaphore, #tpu.memory_space<semaphore_mem>>)
    }
    %scan3A_94 = arith.constant 64 : i32
    %mul3A_95 = arith.constant 128 : i32
    %mul3A_96 = arith.muli %add3A, %mul3A_95 : i32
    %add3A_97 = arith.constant 112 : i32
    %add3A_98 = arith.addi %mul3A_96, %add3A_97 : i32
    %dma_wait3A = arith.constant 0 : i32
    %dma_wait3A_99 = arith.constant 0 : i32
    %dma_wait3A_100 = arith.constant 0 : i32
    %dma_wait3A_101 = tpu.memref_slice %arg11[%dma_wait3A_99, %dma_wait3A_100] : memref<16x128xf32, #tpu.memory_space<vmem>> -> memref<2x128xf32, #tpu.memory_space<vmem>>
    %dma_wait3A_102 = arith.constant 0 : i32
    %dma_wait3A_103 = tpu.memref_slice %arg6[%add3A_98, %dma_wait3A_102] : memref<4096x128xf32, #tpu.memory_space<hbm>> -> memref<2x128xf32, #tpu.memory_space<hbm>>
    %dma_wait3A_104 = tpu.memref_slice %arg13[%dma_wait3A] : memref<8x!tpu.dma_semaphore, #tpu.memory_space<semaphore_mem>> -> memref<1x!tpu.dma_semaphore, #tpu.memory_space<semaphore_mem>>
    %dma_wait3A_105 = tpu.memref_squeeze %dma_wait3A_104 : memref<1x!tpu.dma_semaphore, #tpu.memory_space<semaphore_mem>> -> memref<!tpu.dma_semaphore, #tpu.memory_space<semaphore_mem>>
    %dma_wait3A_106 = arith.constant 0 : i32
    %dma_wait3A_107 = tpu.memref_slice %arg6[%add3A_98, %dma_wait3A_106] : memref<4096x128xf32, #tpu.memory_space<hbm>> -> memref<2x128xf32, #tpu.memory_space<hbm>>
    %dma_wait3A_108 = arith.constant 0 : i32
    %dma_wait3A_109 = arith.constant 0 : i32
    %dma_wait3A_110 = tpu.memref_slice %arg11[%dma_wait3A_108, %dma_wait3A_109] : memref<16x128xf32, #tpu.memory_space<vmem>> -> memref<2x128xf32, #tpu.memory_space<vmem>>
    tpu.wait_dma2 semaphore(%dma_wait3A_105 : memref<!tpu.dma_semaphore, #tpu.memory_space<semaphore_mem>>) src(%dma_wait3A_110 : memref<2x128xf32, #tpu.memory_space<vmem>>) dst(%dma_wait3A_107 : memref<2x128xf32, #tpu.memory_space<hbm>>)
    %mul3A_111 = arith.constant 128 : i32
    %mul3A_112 = arith.muli %add3A, %mul3A_111 : i32
    %add3A_113 = arith.constant 114 : i32
    %add3A_114 = arith.addi %mul3A_112, %add3A_113 : i32
    %dma_wait3A_115 = arith.constant 1 : i32
    %dma_wait3A_116 = arith.constant 2 : i32
    %dma_wait3A_117 = arith.constant 0 : i32
    %dma_wait3A_118 = tpu.memref_slice %arg11[%dma_wait3A_116, %dma_wait3A_117] : memref<16x128xf32, #tpu.memory_space<vmem>> -> memref<2x128xf32, #tpu.memory_space<vmem>>
    %dma_wait3A_119 = arith.constant 0 : i32
    %dma_wait3A_120 = tpu.memref_slice %arg6[%add3A_114, %dma_wait3A_119] : memref<4096x128xf32, #tpu.memory_space<hbm>> -> memref<2x128xf32, #tpu.memory_space<hbm>>
    %dma_wait3A_121 = tpu.memref_slice %arg13[%dma_wait3A_115] : memref<8x!tpu.dma_semaphore, #tpu.memory_space<semaphore_mem>> -> memref<1x!tpu.dma_semaphore, #tpu.memory_space<semaphore_mem>>
    %dma_wait3A_122 = tpu.memref_squeeze %dma_wait3A_121 : memref<1x!tpu.dma_semaphore, #tpu.memory_space<semaphore_mem>> -> memref<!tpu.dma_semaphore, #tpu.memory_space<semaphore_mem>>
    %dma_wait3A_123 = arith.constant 0 : i32
    %dma_wait3A_124 = tpu.memref_slice %arg6[%add3A_114, %dma_wait3A_123] : memref<4096x128xf32, #tpu.memory_space<hbm>> -> memref<2x128xf32, #tpu.memory_space<hbm>>
    %dma_wait3A_125 = arith.constant 2 : i32
    %dma_wait3A_126 = arith.constant 0 : i32
    %dma_wait3A_127 = tpu.memref_slice %arg11[%dma_wait3A_125, %dma_wait3A_126] : memref<16x128xf32, #tpu.memory_space<vmem>> -> memref<2x128xf32, #tpu.memory_space<vmem>>
    tpu.wait_dma2 semaphore(%dma_wait3A_122 : memref<!tpu.dma_semaphore, #tpu.memory_space<semaphore_mem>>) src(%dma_wait3A_127 : memref<2x128xf32, #tpu.memory_space<vmem>>) dst(%dma_wait3A_124 : memref<2x128xf32, #tpu.memory_space<hbm>>)
    %mul3A_128 = arith.constant 128 : i32
    %mul3A_129 = arith.muli %add3A, %mul3A_128 : i32
    %add3A_130 = arith.constant 116 : i32
    %add3A_131 = arith.addi %mul3A_129, %add3A_130 : i32
    %dma_wait3A_132 = arith.constant 2 : i32
    %dma_wait3A_133 = arith.constant 4 : i32
    %dma_wait3A_134 = arith.constant 0 : i32
    %dma_wait3A_135 = tpu.memref_slice %arg11[%dma_wait3A_133, %dma_wait3A_134] : memref<16x128xf32, #tpu.memory_space<vmem>> -> memref<2x128xf32, #tpu.memory_space<vmem>>
    %dma_wait3A_136 = arith.constant 0 : i32
    %dma_wait3A_137 = tpu.memref_slice %arg6[%add3A_131, %dma_wait3A_136] : memref<4096x128xf32, #tpu.memory_space<hbm>> -> memref<2x128xf32, #tpu.memory_space<hbm>>
    %dma_wait3A_138 = tpu.memref_slice %arg13[%dma_wait3A_132] : memref<8x!tpu.dma_semaphore, #tpu.memory_space<semaphore_mem>> -> memref<1x!tpu.dma_semaphore, #tpu.memory_space<semaphore_mem>>
    %dma_wait3A_139 = tpu.memref_squeeze %dma_wait3A_138 : memref<1x!tpu.dma_semaphore, #tpu.memory_space<semaphore_mem>> -> memref<!tpu.dma_semaphore, #tpu.memory_space<semaphore_mem>>
    %dma_wait3A_140 = arith.constant 0 : i32
    %dma_wait3A_141 = tpu.memref_slice %arg6[%add3A_131, %dma_wait3A_140] : memref<4096x128xf32, #tpu.memory_space<hbm>> -> memref<2x128xf32, #tpu.memory_space<hbm>>
    %dma_wait3A_142 = arith.constant 4 : i32
    %dma_wait3A_143 = arith.constant 0 : i32
    %dma_wait3A_144 = tpu.memref_slice %arg11[%dma_wait3A_142, %dma_wait3A_143] : memref<16x128xf32, #tpu.memory_space<vmem>> -> memref<2x128xf32, #tpu.memory_space<vmem>>
    tpu.wait_dma2 semaphore(%dma_wait3A_139 : memref<!tpu.dma_semaphore, #tpu.memory_space<semaphore_mem>>) src(%dma_wait3A_144 : memref<2x128xf32, #tpu.memory_space<vmem>>) dst(%dma_wait3A_141 : memref<2x128xf32, #tpu.memory_space<hbm>>)
    %mul3A_145 = arith.constant 128 : i32
    %mul3A_146 = arith.muli %add3A, %mul3A_145 : i32
    %add3A_147 = arith.constant 118 : i32
    %add3A_148 = arith.addi %mul3A_146, %add3A_147 : i32
    %dma_wait3A_149 = arith.constant 3 : i32
    %dma_wait3A_150 = arith.constant 6 : i32
    %dma_wait3A_151 = arith.constant 0 : i32
    %dma_wait3A_152 = tpu.memref_slice %arg11[%dma_wait3A_150, %dma_wait3A_151] : memref<16x128xf32, #tpu.memory_space<vmem>> -> memref<2x128xf32, #tpu.memory_space<vmem>>
    %dma_wait3A_153 = arith.constant 0 : i32
    %dma_wait3A_154 = tpu.memref_slice %arg6[%add3A_148, %dma_wait3A_153] : memref<4096x128xf32, #tpu.memory_space<hbm>> -> memref<2x128xf32, #tpu.memory_space<hbm>>
    %dma_wait3A_155 = tpu.memref_slice %arg13[%dma_wait3A_149] : memref<8x!tpu.dma_semaphore, #tpu.memory_space<semaphore_mem>> -> memref<1x!tpu.dma_semaphore, #tpu.memory_space<semaphore_mem>>
    %dma_wait3A_156 = tpu.memref_squeeze %dma_wait3A_155 : memref<1x!tpu.dma_semaphore, #tpu.memory_space<semaphore_mem>> -> memref<!tpu.dma_semaphore, #tpu.memory_space<semaphore_mem>>
    %dma_wait3A_157 = arith.constant 0 : i32
    %dma_wait3A_158 = tpu.memref_slice %arg6[%add3A_148, %dma_wait3A_157] : memref<4096x128xf32, #tpu.memory_space<hbm>> -> memref<2x128xf32, #tpu.memory_space<hbm>>
    %dma_wait3A_159 = arith.constant 6 : i32
    %dma_wait3A_160 = arith.constant 0 : i32
    %dma_wait3A_161 = tpu.memref_slice %arg11[%dma_wait3A_159, %dma_wait3A_160] : memref<16x128xf32, #tpu.memory_space<vmem>> -> memref<2x128xf32, #tpu.memory_space<vmem>>
    tpu.wait_dma2 semaphore(%dma_wait3A_156 : memref<!tpu.dma_semaphore, #tpu.memory_space<semaphore_mem>>) src(%dma_wait3A_161 : memref<2x128xf32, #tpu.memory_space<vmem>>) dst(%dma_wait3A_158 : memref<2x128xf32, #tpu.memory_space<hbm>>)
    %mul3A_162 = arith.constant 128 : i32
    %mul3A_163 = arith.muli %add3A, %mul3A_162 : i32
    %add3A_164 = arith.constant 120 : i32
    %add3A_165 = arith.addi %mul3A_163, %add3A_164 : i32
    %dma_wait3A_166 = arith.constant 4 : i32
    %dma_wait3A_167 = arith.constant 8 : i32
    %dma_wait3A_168 = arith.constant 0 : i32
    %dma_wait3A_169 = tpu.memref_slice %arg11[%dma_wait3A_167, %dma_wait3A_168] : memref<16x128xf32, #tpu.memory_space<vmem>> -> memref<2x128xf32, #tpu.memory_space<vmem>>
    %dma_wait3A_170 = arith.constant 0 : i32
    %dma_wait3A_171 = tpu.memref_slice %arg6[%add3A_165, %dma_wait3A_170] : memref<4096x128xf32, #tpu.memory_space<hbm>> -> memref<2x128xf32, #tpu.memory_space<hbm>>
    %dma_wait3A_172 = tpu.memref_slice %arg13[%dma_wait3A_166] : memref<8x!tpu.dma_semaphore, #tpu.memory_space<semaphore_mem>> -> memref<1x!tpu.dma_semaphore, #tpu.memory_space<semaphore_mem>>
    %dma_wait3A_173 = tpu.memref_squeeze %dma_wait3A_172 : memref<1x!tpu.dma_semaphore, #tpu.memory_space<semaphore_mem>> -> memref<!tpu.dma_semaphore, #tpu.memory_space<semaphore_mem>>
    %dma_wait3A_174 = arith.constant 0 : i32
    %dma_wait3A_175 = tpu.memref_slice %arg6[%add3A_165, %dma_wait3A_174] : memref<4096x128xf32, #tpu.memory_space<hbm>> -> memref<2x128xf32, #tpu.memory_space<hbm>>
    %dma_wait3A_176 = arith.constant 8 : i32
    %dma_wait3A_177 = arith.constant 0 : i32
    %dma_wait3A_178 = tpu.memref_slice %arg11[%dma_wait3A_176, %dma_wait3A_177] : memref<16x128xf32, #tpu.memory_space<vmem>> -> memref<2x128xf32, #tpu.memory_space<vmem>>
    tpu.wait_dma2 semaphore(%dma_wait3A_173 : memref<!tpu.dma_semaphore, #tpu.memory_space<semaphore_mem>>) src(%dma_wait3A_178 : memref<2x128xf32, #tpu.memory_space<vmem>>) dst(%dma_wait3A_175 : memref<2x128xf32, #tpu.memory_space<hbm>>)
    %mul3A_179 = arith.constant 128 : i32
    %mul3A_180 = arith.muli %add3A, %mul3A_179 : i32
    %add3A_181 = arith.constant 122 : i32
    %add3A_182 = arith.addi %mul3A_180, %add3A_181 : i32
    %dma_wait3A_183 = arith.constant 5 : i32
    %dma_wait3A_184 = arith.constant 10 : i32
    %dma_wait3A_185 = arith.constant 0 : i32
    %dma_wait3A_186 = tpu.memref_slice %arg11[%dma_wait3A_184, %dma_wait3A_185] : memref<16x128xf32, #tpu.memory_space<vmem>> -> memref<2x128xf32, #tpu.memory_space<vmem>>
    %dma_wait3A_187 = arith.constant 0 : i32
    %dma_wait3A_188 = tpu.memref_slice %arg6[%add3A_182, %dma_wait3A_187] : memref<4096x128xf32, #tpu.memory_space<hbm>> -> memref<2x128xf32, #tpu.memory_space<hbm>>
    %dma_wait3A_189 = tpu.memref_slice %arg13[%dma_wait3A_183] : memref<8x!tpu.dma_semaphore, #tpu.memory_space<semaphore_mem>> -> memref<1x!tpu.dma_semaphore, #tpu.memory_space<semaphore_mem>>
    %dma_wait3A_190 = tpu.memref_squeeze %dma_wait3A_189 : memref<1x!tpu.dma_semaphore, #tpu.memory_space<semaphore_mem>> -> memref<!tpu.dma_semaphore, #tpu.memory_space<semaphore_mem>>
    %dma_wait3A_191 = arith.constant 0 : i32
    %dma_wait3A_192 = tpu.memref_slice %arg6[%add3A_182, %dma_wait3A_191] : memref<4096x128xf32, #tpu.memory_space<hbm>> -> memref<2x128xf32, #tpu.memory_space<hbm>>
    %dma_wait3A_193 = arith.constant 10 : i32
    %dma_wait3A_194 = arith.constant 0 : i32
    %dma_wait3A_195 = tpu.memref_slice %arg11[%dma_wait3A_193, %dma_wait3A_194] : memref<16x128xf32, #tpu.memory_space<vmem>> -> memref<2x128xf32, #tpu.memory_space<vmem>>
    tpu.wait_dma2 semaphore(%dma_wait3A_190 : memref<!tpu.dma_semaphore, #tpu.memory_space<semaphore_mem>>) src(%dma_wait3A_195 : memref<2x128xf32, #tpu.memory_space<vmem>>) dst(%dma_wait3A_192 : memref<2x128xf32, #tpu.memory_space<hbm>>)
    %mul3A_196 = arith.constant 128 : i32
    %mul3A_197 = arith.muli %add3A, %mul3A_196 : i32
    %add3A_198 = arith.constant 124 : i32
    %add3A_199 = arith.addi %mul3A_197, %add3A_198 : i32
    %dma_wait3A_200 = arith.constant 6 : i32
    %dma_wait3A_201 = arith.constant 12 : i32
    %dma_wait3A_202 = arith.constant 0 : i32
    %dma_wait3A_203 = tpu.memref_slice %arg11[%dma_wait3A_201, %dma_wait3A_202] : memref<16x128xf32, #tpu.memory_space<vmem>> -> memref<2x128xf32, #tpu.memory_space<vmem>>
    %dma_wait3A_204 = arith.constant 0 : i32
    %dma_wait3A_205 = tpu.memref_slice %arg6[%add3A_199, %dma_wait3A_204] : memref<4096x128xf32, #tpu.memory_space<hbm>> -> memref<2x128xf32, #tpu.memory_space<hbm>>
    %dma_wait3A_206 = tpu.memref_slice %arg13[%dma_wait3A_200] : memref<8x!tpu.dma_semaphore, #tpu.memory_space<semaphore_mem>> -> memref<1x!tpu.dma_semaphore, #tpu.memory_space<semaphore_mem>>
    %dma_wait3A_207 = tpu.memref_squeeze %dma_wait3A_206 : memref<1x!tpu.dma_semaphore, #tpu.memory_space<semaphore_mem>> -> memref<!tpu.dma_semaphore, #tpu.memory_space<semaphore_mem>>
    %dma_wait3A_208 = arith.constant 0 : i32
    %dma_wait3A_209 = tpu.memref_slice %arg6[%add3A_199, %dma_wait3A_208] : memref<4096x128xf32, #tpu.memory_space<hbm>> -> memref<2x128xf32, #tpu.memory_space<hbm>>
    %dma_wait3A_210 = arith.constant 12 : i32
    %dma_wait3A_211 = arith.constant 0 : i32
    %dma_wait3A_212 = tpu.memref_slice %arg11[%dma_wait3A_210, %dma_wait3A_211] : memref<16x128xf32, #tpu.memory_space<vmem>> -> memref<2x128xf32, #tpu.memory_space<vmem>>
    tpu.wait_dma2 semaphore(%dma_wait3A_207 : memref<!tpu.dma_semaphore, #tpu.memory_space<semaphore_mem>>) src(%dma_wait3A_212 : memref<2x128xf32, #tpu.memory_space<vmem>>) dst(%dma_wait3A_209 : memref<2x128xf32, #tpu.memory_space<hbm>>)
    %mul3A_213 = arith.constant 128 : i32
    %mul3A_214 = arith.muli %add3A, %mul3A_213 : i32
    %add3A_215 = arith.constant 126 : i32
    %add3A_216 = arith.addi %mul3A_214, %add3A_215 : i32
    %dma_wait3A_217 = arith.constant 7 : i32
    %dma_wait3A_218 = arith.constant 14 : i32
    %dma_wait3A_219 = arith.constant 0 : i32
    %dma_wait3A_220 = tpu.memref_slice %arg11[%dma_wait3A_218, %dma_wait3A_219] : memref<16x128xf32, #tpu.memory_space<vmem>> -> memref<2x128xf32, #tpu.memory_space<vmem>>
    %dma_wait3A_221 = arith.constant 0 : i32
    %dma_wait3A_222 = tpu.memref_slice %arg6[%add3A_216, %dma_wait3A_221] : memref<4096x128xf32, #tpu.memory_space<hbm>> -> memref<2x128xf32, #tpu.memory_space<hbm>>
    %dma_wait3A_223 = tpu.memref_slice %arg13[%dma_wait3A_217] : memref<8x!tpu.dma_semaphore, #tpu.memory_space<semaphore_mem>> -> memref<1x!tpu.dma_semaphore, #tpu.memory_space<semaphore_mem>>
    %dma_wait3A_224 = tpu.memref_squeeze %dma_wait3A_223 : memref<1x!tpu.dma_semaphore, #tpu.memory_space<semaphore_mem>> -> memref<!tpu.dma_semaphore, #tpu.memory_space<semaphore_mem>>
    %dma_wait3A_225 = arith.constant 0 : i32
    %dma_wait3A_226 = tpu.memref_slice %arg6[%add3A_216, %dma_wait3A_225] : memref<4096x128xf32, #tpu.memory_space<hbm>> -> memref<2x128xf32, #tpu.memory_space<hbm>>
    %dma_wait3A_227 = arith.constant 14 : i32
    %dma_wait3A_228 = arith.constant 0 : i32
    %dma_wait3A_229 = tpu.memref_slice %arg11[%dma_wait3A_227, %dma_wait3A_228] : memref<16x128xf32, #tpu.memory_space<vmem>> -> memref<2x128xf32, #tpu.memory_space<vmem>>
    tpu.wait_dma2 semaphore(%dma_wait3A_224 : memref<!tpu.dma_semaphore, #tpu.memory_space<semaphore_mem>>) src(%dma_wait3A_229 : memref<2x128xf32, #tpu.memory_space<vmem>>) dst(%dma_wait3A_226 : memref<2x128xf32, #tpu.memory_space<hbm>>)
    return
  }
}

</mosaic_0001>

<sc_bundles>
// kernel: _run.3.cloned.1.call-start
scs
__scs_entry_jumppad:
0x0: {  	(pc) =	sbr.rel $0x88, $3  }
0x1: {  	(tag) =	ssettag $0x0;
	lr =	simm.s32 $0x1  }
0x2: {  	[smem:$0x3F9D] =	sst lr;
	_ =	strace $0xD0000000  }
0x3: {  	_ = 	snop  }
0x4: {  	_ = 	snop  }
0x5: {  	_ = 	snop  }
0x6: {  	_ = 	snop  }
0x7: {  	_ = 	snop  }
__scs_overlays_trampoline_lowered:
0x8: {  	[smem:$0x3FAC] =	sst s0  }
0x9: {  	[smem:$0x3FAD] =	sst s1  }
0xa: {  	[smem:$0x3FAE] =	sst s2  }
0xb: {  	[smem:$0x3FAF] =	sst s3  }
0xc: {  	[smem:$0x3FB0] =	sst s4  }
0xd: {  	[smem:$0x3FB1] =	sst s5  }
0xe: {  	[smem:$0x3FB2] =	sst s6  }
0xf: {  	[smem:$0x3FB3] =	sst s7  }
0x10: {  	[smem:$0x3FB4] =	sst s8  }
0x11: {  	[smem:$0x3FB5] =	sst s9;
	s0 =	simm.s32 @!p0 $0x0  }
0x12: {  	s1 =	sld [smem:$0x3F9B];
	s0 =	simm.s32 @p0 $0x1  }
0x13: {  	[smem:$0x3FB6] =	sst s0;
	s0 =	simm.s32 @!p1 $0x0  }
0x14: {  	s2 =	sld [smem:$0x3F9A];
	s0 =	simm.s32 @p1 $0x1  }
0x15: {  	[smem:$0x3FB7] =	sst s0;
	s0 =	simm.s32 @!p2 $0x0  }
0x16: {  	s3 =	sld [smem:$0x3FDB];
	s0 =	simm.s32 @p2 $0x1  }
0x17: {  	s4 =	simm.s32 $0x1BF5;
	[smem:$0x3FB9] =	sst s0  }
0x18: {  	s0 =	sld [smem:$0x3F9C];
	_ =	swait.ge [sflag:s4], $0x0  }
0x19: {  	s7 =	sld [smem:$0x3F9D]  }
0x1a: {  	s8 =	sadd.s32 $0xFFFFE003, lr  }
0x1b: {  	s9 =	sadd.s32 $0xFFFFFEF7, lr;
	s5 =	simm.s32 $0xFFFFFFFF;
	p2 =	slt.u32 s8, $0xFFFFF086  }
0x1c: {  	p1 =	slt.u32 s9, $0xF7A;
	s5 =	simm.s32 @!p2 $0x0  }
0x1d: {  	s5 =	simm.s32 @p1 $0x1;
	p0 =	seq.s32 s7, s2  }
0x1e: {  	s7 =	smul.u32 @!p0 $0xF7A, s2;
	p2 =	seq.s32 @!p0 s5, $0x0  }
0x1f: {  	s9 =	smul.u32 $0xF7A, s1;
	s8 =	simm.s32 @!p0 $0x1BF5;
	p2 =	por !p2, p0  }
0x20: {  	[sflag:s8] =	ssyncset.s32 @!p0 $0xFFFFF086;
	s6 =	sadd.s32 @!p0 s3, s7;
	s7 =	simm.s32 @!p0 $0x108  }
0x21: {  	s3 =	sadd.s32 s3, s9;
	s6 =	sadd.s32 @!p0 $0x88, s6;
	s7 =	simm.s32 @p2 $0x1082  }
0x22: {  	[simem:s7], [sflag:s8] =	dma.local @!p0 [hbm:s6], $0xF7A  }
0x23: {  	s9 =	sor.u32 $0xD0000000, s2;
	s6 =	simm.s32 $0x108;
	_ =	swait.ge @!p0 [sflag:s8], $0x0  }
0x24: {  	s3 =	sadd.s32 $0x88, s3;
	s6 =	simm.s32 @!p1 $0x1082;
	[sflag:s4] =	ssyncset.s32 $0xFFFFF086  }
0x25: {  	[simem:s6], [sflag:s4] =	dma.local [hbm:s3], $0xF7A  }
0x26: {  	[smem:$0x3F9D] =	sst s1;
	(tag) =	ssettag s2;
	_ =	strace s9  }
0x27: {  	s1 =	sld [smem:$0x3FAD]  }
0x28: {  	s2 =	sld [smem:$0x3FAE]  }
0x29: {  	s4 =	sld [smem:$0x3FB0]  }
0x2a: {  	p0 =	seq.s32 s5, $0x0;
	s5 =	sld [smem:$0x3FB1]  }
0x2b: {  	s6 =	sld [smem:$0x3FB2]  }
0x2c: {  	s7 =	sld [smem:$0x3FB3]  }
0x2d: {  	s3 =	simm.s32 $0x108;
	s8 =	sld [smem:$0x3FB4]  }
0x2e: {  	s3 =	simm.s32 @!p0 $0x1082;
	s9 =	sld [smem:$0x3FB5]  }
0x2f: {  	lr =	sadd.s32 s0, s3;
	s0 =	sld [smem:$0x3FAC]  }
0x30: {  	s3 =	sld [smem:$0x3FAF]  }
0x31: {  	[smem:$0x3FB8] =	sst s10  }
0x32: {  	s10 =	sld [smem:$0x3FB6];
	_ =	sdelay $0x3  }
0x33: {  	p0 =	seq.s32 s10, $0x1;
	s10 =	sld [smem:$0x3FB8];
	_ =	sdelay $0x3  }
0x34: {  	[smem:$0x3FB8] =	sst s10  }
0x35: {  	s10 =	sld [smem:$0x3FB7];
	_ =	sdelay $0x3  }
0x36: {  	p1 =	seq.s32 s10, $0x1;
	s10 =	sld [smem:$0x3FB8];
	_ =	sdelay $0x3  }
0x37: {  	[smem:$0x3FB8] =	sst s10  }
0x38: {  	s10 =	sld [smem:$0x3FB9]  }
0x39: {  	_ = 	snop;
	(pc) =	sbr.ind lr, $3  }
0x3a: {  	_ = 	snop  }
0x3b: {  	_ = 	snop  }
0x3c: {  	p2 =	seq.s32 s10, $0x1;
	s10 =	sld [smem:$0x3FB8]  }
0x3d: {  	_ =	shalt  }
0x3e: {  	_ =	shalt  }
0x3f: {  	_ =	shalt  }
0x40: {  	_ =	shalt  }
0x41: {  	_ =	shalt  }
0x42: {  	_ =	shalt  }
0x43: {  	_ =	shalt  }
0x44: {  	_ =	shalt  }
0x45: {  	_ =	shalt  }
0x46: {  	_ =	shalt  }
0x47: {  	_ =	shalt  }
0x48: {  	_ =	shalt  }
0x49: {  	_ =	shalt  }
0x4a: {  	_ =	shalt  }
0x4b: {  	_ =	shalt  }
0x4c: {  	_ =	shalt  }
0x4d: {  	_ =	shalt  }
0x4e: {  	_ =	shalt  }
0x4f: {  	_ =	shalt  }
0x50: {  	_ =	shalt  }
0x51: {  	_ =	shalt  }
0x52: {  	_ =	shalt  }
0x53: {  	_ =	shalt  }
0x54: {  	_ =	shalt  }
0x55: {  	_ =	shalt  }
0x56: {  	_ =	shalt  }
0x57: {  	_ =	shalt  }
0x58: {  	_ =	shalt  }
0x59: {  	_ =	shalt  }
0x5a: {  	_ =	shalt  }
0x5b: {  	_ =	shalt  }
0x5c: {  	_ =	shalt  }
0x5d: {  	_ =	shalt  }
0x5e: {  	_ =	shalt  }
0x5f: {  	_ =	shalt  }
0x60: {  	_ =	shalt  }
0x61: {  	_ =	shalt  }
0x62: {  	_ =	shalt  }
0x63: {  	_ =	shalt  }
0x64: {  	_ =	shalt  }
0x65: {  	_ =	shalt  }
0x66: {  	_ =	shalt  }
0x67: {  	_ =	shalt  }
0x68: {  	_ =	shalt  }
0x69: {  	_ =	shalt  }
0x6a: {  	_ =	shalt  }
0x6b: {  	_ =	shalt  }
0x6c: {  	_ =	shalt  }
0x6d: {  	_ =	shalt  }
0x6e: {  	_ =	shalt  }
0x6f: {  	_ =	shalt  }
0x70: {  	_ =	shalt  }
0x71: {  	_ =	shalt  }
0x72: {  	_ =	shalt  }
0x73: {  	_ =	shalt  }
0x74: {  	_ =	shalt  }
0x75: {  	_ =	shalt  }
0x76: {  	_ =	shalt  }
0x77: {  	_ =	shalt  }
0x78: {  	_ =	shalt  }
0x79: {  	_ =	shalt  }
0x7a: {  	_ =	shalt  }
0x7b: {  	_ =	shalt  }
0x7c: {  	_ =	shalt  }
0x7d: {  	_ =	shalt  }
0x7e: {  	_ =	shalt  }
0x7f: {  	_ =	shalt  }
0x80: {  	_ =	shalt  }
0x81: {  	_ =	shalt  }
0x82: {  	_ =	shalt  }
0x83: {  	_ =	shalt  }
0x84: {  	_ =	shalt  }
0x85: {  	_ =	shalt  }
0x86: {  	_ =	shalt  }
0x87: {  	_ =	shalt  }
.Lfunc_end0:
.L_simem_size_0:
called_computation_lowered:
.L_overlay_start_0:
0x88: {  	s2 =	sld [smem:$0x3FD9]  }
0x89: {  	s3 =	sld [smem:$0x3FFE];
	_ =	sdelay $0x1  }
0x8a: {  	s1 =	srdreg.scid  }
0x8b: {  	s0 =	sand.u32 $0x1, s1  }
0x8c: {  	s18 =	sshll.u32 s0, $0xA;
	s2 =	sadd.s32 s3, s2  }
0x8d: {  	s2 =	sadd.s32 s2, s18  }
0x8e: {  	[smem:$0x3FC4] =	sst s2  }
0x8f: {  	_ = 	snop  }
0x90: {  	s2 =	sld [smem:$0x3FC9]  }
0x91: {  	s19 =	sld [smem:$0x3FC8]  }
0x92: {  	s4 =	sld [smem:$0x3FC7]  }
0x93: {  	s5 =	sld [smem:$0x3FC6]  }
0x94: {  	s6 =	sld [smem:$0x3FD0];
	(tm) =	ssettm $0x1  }
0x95: {  	s7 =	sld [smem:$0x3FFB];
	_ =	sdelay $0x3  }
0x96: {  	_ =	strace s7  }
0x97: {  	s7 =	sld [smem:$0x3FFC];
	_ =	sdelay $0x3  }
0x98: {  	_ =	strace s7  }
0x99: {  	s7 =	sld [smem:$0x3FFD];
	_ =	sdelay $0x3  }
0x9a: {  	_ =	strace s7  }
0x9b: {  	_ =	strace $0x8FFFFFFF  }
0x9c: {  	s20 =	sld [smem:$0x3FDB];
	_ =	sdelay $0x1  }
0x9d: {  	s8 =	simm.s32 $_scs_section_size  }
0x9e: {  	s9 =	simm.s32 $_size__tile_overlayer_lowered;
	s10 =	simm.s32 $_tile_overlayer_lowered  }
0x9f: {  	s23 =	simm.s32 $0x1BFF;
	s22 =	sshll.u32 s10, $0x1;
	s7 =	sadd.s32 s8, s20  }
0xa0: {  	s11 =	simm.s32 $0x0;
	s21 =	sshll.u32 s9, $0x1;
	s9 =	sadd.s32 s22, s7  }
0xa1: {  	[timem:s11], [sflag:s23] =	dma.local [hbm:s9], s21  }
0xa2: {  	_ =	swait.ge [sflag:s23], s21  }
0xa3: {  	s8 =	ssub.s32 $0x0, s21;
	[sflag:s23] =	ssyncset.done $0x0  }
0xa4: {  	[sflag:s23] =	ssyncadd.s32 s8;
	_ =	sdelay $0x1  }
0xa5: {  	s24 =	simm.s32 $0x1B8B  }
0xa6: {  	_ =	swait.ge [sflag:s24], $0x1  }
0xa7: {  	[sflag:s24] =	ssyncset.done $0x0  }
0xa8: {  	s25 =	simm.s32 $0x1B8E;
	[sflag:s24] =	ssyncadd.s32 $0xFFFFFFFF  }
0xa9: {  	s26 =	simm.s32 $execute0_lowered;
	[smem:$0x3FD2] =	sst s25  }
0xaa: {  	s8 =	sshll.u32 s26, $0x1;
	_ =	strace $0x80000046;
	[dreg:$0x1] =	wrdreg $0xFFFFFFFF  }
0xab: {  	s28 =	simm.s32 $_size_execute0_lowered;
	s7 =	sadd.s32 s7, s8;
	[dreg:$0x0] =	wrdreg $0x0  }
0xac: {  	s8 =	sshll.u32 s28, $0x1;
	[dreg:$0x2] =	wrdreg s7  }
0xad: {  	[dreg:$0x3] =	wrdreg s8  }
0xae: {  	[dreg:$0x4] =	wrdreg $0xC0  }
0xaf: {  	_ =	task [dreg:s11], $0x5FFFF  }
0xb0: {  	[dreg:$0x1] =	wrdreg $0xFFFFFFFF  }
0xb1: {  	[dreg:$0x0] =	wrdreg $0x60  }
0xb2: {  	[dreg:$0x2] =	wrdreg s2  }
0xb3: {  	[dreg:$0x3] =	wrdreg s19  }
0xb4: {  	[dreg:$0x4] =	wrdreg s4  }
0xb5: {  	[dreg:$0x5] =	wrdreg s5  }
0xb6: {  	[dreg:$0x6] =	wrdreg s6  }
0xb7: {  	[dreg:$0x7] =	wrdreg $0x9  }
0xb8: {  	_ =	task.clear_ibuf [dreg:s11], $0x8FFFF;
	_ =	strace $0x90000046  }
0xb9: {  	s29 =	simm.s32 $0x9;
	_ =	strace $0x80000048  }
0xba: {  	_ =	swait.ge [sflag:s29], $0x1  }
0xbb: {  	[sflag:s29] =	ssyncadd.s32 $0xFFFFFFFF  }
0xbc: {  	_ =	strace $0x90000048  }
0xbd: {  	_ =	sfence  }
0xbe: {  	s30 =	sld [smem:$0x0];
	_ =	sdelay $0x2  }
0xbf: {  	s31 =	sshll.u32 s1, $0xD;
	s1 =	sshrl.u32 s1, $0x2  }
0xc0: {  	s3 =	sand.u32 $0x4000, s31;
	s1 =	sadd.s32 s1, s30  }
0xc1: {  	s0 =	sor.u32 s3, s0;
	s1 =	sshll.u32 s1, $0x11  }
0xc2: {  	s0 =	sor.u32 s1, s0  }
0xc3: {  	s0 =	sadd.s32 $0x8F2B, s0  }
0xc4: {  	[sflag:s0] =	ssyncadd.remote.s32 $0x1  }
0xc5: {  	_ =	sfence.sel $0xFFFF  }
0xc6: {  	[dreg:$0x0] =	wrdreg $0xFFFFFFFF;
	(pc) =	sbr.abs _section_cstart, $3  }
0xc7: {  	[dreg:$0x1] =	wrdreg $0xFFFFFFFF  }
0xc8: {  	_ =	task.clear_ibuf [dreg:s11], $0x2FFFF;
	_ =	strace $0x9FFFFFFF  }
0xc9: {  	(tm) =	ssettm $0x7FFFFFFF  }
tec
execute0_lowered:
.L_overlay_start_1:
0x0: {  	(tag) =	ssettag $0x1  }
0x1: {  	s1 =	rddreg [dreg:$0x0]  }
0x2: {  	s0 =	rddreg [dreg:$0x1]  }
0x3: {  	s2 =	rddreg [dreg:$0x2]  }
0x4: {  	s3 =	rddreg [dreg:$0x4];
	s5 =	srdreg.scid;
	s4 =	simm.s32 $0x0  }
0x5: {  	s9 =	stileid.u32;
	s10 =	simm.s32 $0x64;
	s12 =	simm.s32 $0x80  }
0x6: {  	s28 =	simm.s32 $0x9;
	s29 =	simm.s32 $0xA;
	s30 =	simm.s32 $0xB  }
0x7: {  	s31 =	simm.s32 $0xC;
	s11 =	simm.s32 $0x10;
	s13 =	simm.s32 $0x0  }
0x8: {  	s5 =	sand.u32 $0x1, s5;
	[smem:$0x7FF] =	sst s4;
	s7 =	sshll.u32 s9, $0x1  }
0x9: {  	s23 =	sshll.u32 s9, $0xB;
	s9 =	simm.s32 $0x11;
	s6 =	ssub.s32 $0x2, s5  }
0xa: {  	_ =	strace $0x80000047;
	s7 =	sor.u32 s5, s7;
	s24 =	sand.u32 $0x6000, s23  }
0xb: {  	s8 =	sshrl.u32 s6, $0x1;
	s5 =	sshll.u32 s7, $0xA;
	s25 =	sshll.u32 s7, $0x4  }
0xc: {  	s26 =	sshll.u32 s7, $0xB;
	s8 =	ssub.s32 s6, s8;
	s5 =	sadd.s32 s0, s5  }
0xd: {  	s6 =	sand.u32 $0x70, s25;
	s0 =	sadd.s32 s2, s24;
	s7 =	sadd.s32 s3, s26  }
0xe: {  	s26 =	simm.s32 $0x4000;
	s3 =	simm.s32 $0xE;
	s2 =	simm.s32 $0xF  }
0xf: {  	s6 =	sadd.s32 s6, s0;
	s8 =	smax.u32 s8, $0x1;
	s0 =	simm.s32 $0xD  }
.LBB2_1:
0x10: {  	[tilespmem:s4], [sflag:$0x11] =	stream.linear.gather [hbm4b:s5+s4], $0x2000, $0x38;
	[tilespmem:$0x1D880] =	vst v63  }
0x11: {  	_ =	swait.ge [sflag:s9], $0x2000  }
0x12: {  	[sflag:s9] =	ssyncset.done $0x0  }
0x13: {  	s14 =	simm.s32 $0x4080;
	[sflag:s9] =	ssyncadd.s32 $0xFFFFE000  }
0x14: {  	[tilespmem:s14], [sflag:$0x1] =	stream.indirect.gather [hbm4b:s1+s10], $0x80, s4, s10, $0xb8;
	[tilespmem:$0x1D880] =	vst v63  }
0x15: {  	s24 =	simm.s32 $0x7280  }
0x16: {  	[tilespmem:s24], [sflag:$0x2] =	stream.indirect.gather [hbm4b:s1+s10], $0x80, s12, s10, $0xb8;
	[tilespmem:$0x1D880] =	vst v63  }
0x17: {  	s25 =	simm.s32 $0x100;
	s15 =	simm.s32 $0xA480  }
0x18: {  	[tilespmem:s15], [sflag:$0x3] =	stream.indirect.gather [hbm4b:s1+s10], $0x80, s25, s10, $0xb8;
	[tilespmem:$0x1D880] =	vst v63  }
0x19: {  	s16 =	simm.s32 $0xD680;
	s15 =	simm.s32 $0x180  }
0x1a: {  	[tilespmem:s16], [sflag:$0x4] =	stream.indirect.gather [hbm4b:s1+s10], $0x80, s15, s10, $0xb8;
	[tilespmem:$0x1D880] =	vst v63  }
0x1b: {  	s17 =	simm.s32 $0x200;
	s18 =	simm.s32 $0x10880  }
0x1c: {  	[tilespmem:s18], [sflag:$0x5] =	stream.indirect.gather [hbm4b:s1+s10], $0x80, s17, s10, $0xb8;
	[tilespmem:$0x1D880] =	vst v63  }
0x1d: {  	s19 =	simm.s32 $0x280;
	s20 =	simm.s32 $0x13A80  }
0x1e: {  	[tilespmem:s20], [sflag:$0x6] =	stream.indirect.gather [hbm4b:s1+s10], $0x80, s19, s10, $0xb8;
	[tilespmem:$0x1D880] =	vst v63  }
0x1f: {  	s21 =	simm.s32 $0x300;
	s22 =	simm.s32 $0x16C80  }
0x20: {  	[tilespmem:s22], [sflag:$0x7] =	stream.indirect.gather [hbm4b:s1+s10], $0x80, s21, s10, $0xb8;
	[tilespmem:$0x1D880] =	vst v63  }
0x21: {  	s23 =	simm.s32 $0x400;
	s24 =	simm.s32 $0x2000  }
0x22: {  	[tilespmem:s24], [sflag:$0x11] =	stream.strided.gather [hbm4b:s6+s12], $0x2000, s23, s12, $0x38;
	[tilespmem:$0x1D880] =	vst v63  }
0x23: {  	_ =	swait.ge [sflag:s9], $0x2000  }
0x24: {  	[sflag:s9] =	ssyncset.done $0x0  }
0x25: {  	[sflag:s9] =	ssyncadd.s32 $0xFFFFE000  }
0x26: {  	s25 =	rddreg [dreg:$0x3]  }
0x27: {  	[tilespmem:s26], [sflag:$0x11] =	stream.linear.gather [hbm4b:s25+s4], $0x80, $0x38;
	[tilespmem:$0x1D880] =	vst v63  }
0x28: {  	_ =	swait.ge [sflag:s9], $0x80  }
0x29: {  	[sflag:s9] =	ssyncset.done $0x0  }
0x2a: {  	s14 =	simm.s32 $0x0;
	s15 =	simm.s32 $0x0;
	[sflag:s9] =	ssyncadd.s32 $0xFFFFFF80  }
.LBB2_2:
0x2b: {  	p0 =	sgt.u32 s15, $0x38  }
0x2c: {  	s17 =	sadd.s32 @!p0 $0x7, s15  }
0x2d: {  	s18 =	sand.u32 @!p0 $0x7, s17  }
0x2e: {  	s16 =	smul.u32 @!p0 $0xC800, s18  }
0x2f: {  	s20 =	simm.s32 @!p0 $0x64;
	s17 =	sshll.u32 @!p0 s17, $0x7  }
0x30: {  	s17 =	sand.u32 @!p0 $0x3FFFFF80, s17;
	s19 =	sshrl.u32 @!p0 s16, $0x2;
	s16 =	sand.u32 $0x7, s15  }
0x31: {  	s18 =	sadd.s32 @!p0 $0x1, s18;
	s19 =	sadd.s32 @!p0 $0x4080, s19;
	s22 =	sadd.s32 $0x1, s16  }
0x32: {  	[tilespmem:s19], [sflag:s18] =	stream.indirect.gather @!p0 [hbm4b:s1+s20], $0x80, s17, s20, $0xb8;
	[tilespmem:$0x1D880] =	vst v63  }
0x33: {  	_ =	swait.ge [sflag:s22], $0x3200  }
0x34: {  	p0 =	slt.u32 s15, $0x8;
	[sflag:s22] =	ssyncset.done $0x0  }
0x35: {  	s17 =	sadd.s32 @!p0 $0x9, s16;
	[sflag:s22] =	ssyncadd.s32 $0xFFFFCE00  }
0x36: {  	_ =	swait.ge @!p0 [sflag:s17], $0x100  }
0x37: {  	[sflag:s17] =	ssyncset.done @!p0 $0x0  }
0x38: {  	[sflag:s17] =	ssyncadd.s32 @!p0 $0xFFFFFF00  }
0x39: {  	v9 =	vld [tilespmem:$0x4000]  }
0x3a: {  	v5 =	vld [tilespmem:$0x4010]  }
0x3b: {  	v4 =	vld [tilespmem:$0x4020]  }
0x3c: {  	v3 =	vld [tilespmem:$0x4030]  }
0x3d: {  	s23 =	sand.u32 $0x7, s14;
	v2 =	vld [tilespmem:$0x4040]  }
0x3e: {  	s17 =	smul.u32 $0xC800, s23;
	v0 =	vld [tilespmem:$0x4050]  }
0x3f: {  	s24 =	sshll.u32 s15, $0x7;
	v1 =	vld [tilespmem:$0x4060]  }
0x40: {  	v8 =	vld [tilespmem:$0x4070];
	s21 =	sshrl.u32 s17, $0x2;
	s17 =	sand.u32 $0x3FFFFF80, s24  }
0x41: {  	s23 =	sadd.s32 $0x40C0, s21;
	v6 =	vld [tilespmem:s17+$0x2000]  }
0x42: {  	v11 =	vld [tilespmem:s23+$0x30]  }
0x43: {  	v13 =	vld [tilespmem:s23+$0xFFFFFFC0]  }
0x44: {  	s25 =	simm.s32 $0x0;
	v14 =	vld [tilespmem:s23+$0xFFFFFFD0]  }
0x45: {  	v7 =	vmov s25;
	v16 =	vld [tilespmem:s23+$0xFFFFFFE0]  }
0x46: {  	v12 =	vld [tilespmem:s23+$0xFFFFFFF0];
	v7 =	vperm.xlane v6, v7  }
0x47: {  	v10 =	vld [tilespmem:s23+$0x0]  }
0x48: {  	s25 =	simm.s32 $0x2;
	s24 =	simm.s32 $0x1;
	v17 =	vmul.f32 v11, v7;
	v18 =	vmul.f32 v13, v7;
	v11 =	vld [tilespmem:s23+$0x10]  }
0x49: {  	s18 =	sadd.s32 $0x69F0, s21;
	s19 =	sadd.s32 $0x61F0, s21;
	v15 =	vmul.f32 v14, v7;
	v13 =	vld [tilespmem:s23+$0x20];
	s23 =	sadd.s32 $0x80, s23  }
0x4a: {  	s22 =	sadd.s32 $0x59F0, s21;
	s20 =	sadd.s32 $0x50F0, s21;
	s21 =	sadd.s32 $0x48F0, s21;
	v16 =	vmul.f32 v16, v7;
	v14 =	vld [tilespmem:s23+$0x30];
	v8 =	vadd.f32 v17, v8;
	v9 =	vadd.f32 v18, v9  }
.LBB2_3:
0x4b: {  	p0 =	sne.s32 s25, $0xF;
	v17 =	vld [tilespmem:s23+$0xFFFFFFC0];
	v5 =	vadd.f32 v15, v5;
	v12 =	vmul.f32 v12, v7  }
0x4c: {  	v15 =	vmov s24;
	s24 =	smov.u32 s25;
	v18 =	vld [tilespmem:s23+$0xFFFFFFD0];
	v4 =	vadd.f32 v16, v4;
	v10 =	vmul.f32 v10, v7  }
0x4d: {  	v15 =	vperm.xlane v6, v15;
	v16 =	vld [tilespmem:s23+$0xFFFFFFE0];
	v3 =	vadd.f32 v12, v3;
	v11 =	vmul.f32 v11, v7  }
.Ltmp0:
0x4e: {  	v12 =	vld [tilespmem:s23+$0xFFFFFFF0];
	v2 =	vadd.f32 v10, v2;
	v13 =	vmul.f32 v13, v7;
	(pc) =	sbr.rel @p0 .LBB2_3-.Ltmp0, $4  }
0x4f: {  	v7 =	vmov v15;
	v10 =	vld [tilespmem:s23+$0x0];
	v14 =	vmul.f32 v14, v15;
	v0 =	vadd.f32 v11, v0  }
0x50: {  	v17 =	vmul.f32 v17, v7;
	v11 =	vld [tilespmem:s23+$0x10];
	v1 =	vadd.f32 v13, v1  }
0x51: {  	v15 =	vmul.f32 v18, v7;
	v13 =	vld [tilespmem:s23+$0x20];
	v8 =	vadd.f32 v14, v8;
	s23 =	sadd.s32 $0x80, s23  }
0x52: {  	s25 =	sadd.s32 $0x1, s25;
	v14 =	vld [tilespmem:s23+$0x30];
	v9 =	vadd.f32 v17, v9;
	v16 =	vmul.f32 v16, v7  }
0x53: {  	v17 =	vld [tilespmem:s23+$0xFFFFFFC0]  }
0x54: {  	v18 =	vld [tilespmem:s23+$0xFFFFFFD0]  }
0x55: {  	v19 =	vld [tilespmem:s23+$0xFFFFFFE0]  }
0x56: {  	v20 =	vld [tilespmem:s23+$0xFFFFFFF0]  }
0x57: {  	v21 =	vld [tilespmem:s23+$0x0]  }
0x58: {  	v5 =	vadd.f32 v15, v5;
	v12 =	vmul.f32 v12, v7;
	v15 =	vmov s24;
	v22 =	vld [tilespmem:s23+$0x10]  }
0x59: {  	v4 =	vadd.f32 v16, v4;
	v10 =	vmul.f32 v10, v7;
	v6 =	vperm.xlane v6, v15;
	v15 =	vld [tilespmem:s23+$0x20]  }
0x5a: {  	v16 =	vadd.f32 v12, v3;
	v11 =	vmul.f32 v11, v7;
	v3 =	vld [tilespmem:s17+$0x2010];
	v7 =	vmul.f32 v13, v7  }
0x5b: {  	v13 =	vadd.f32 v10, v2;
	v2 =	vmul.f32 v14, v6;
	v14 =	vld [tilespmem:s21+$0x0];
	v10 =	vmul.f32 v17, v6  }
0x5c: {  	v17 =	vadd.f32 v11, v0;
	v23 =	vadd.f32 v7, v1;
	v0 =	vmul.f32 v18, v6;
	v11 =	vld [tilespmem:s21+$0xFFFFFF90]  }
0x5d: {  	s25 =	simm.s32 $0x0;
	v1 =	vmul.f32 v19, v6;
	v18 =	vld [tilespmem:s21+$0xFFFFFFA0];
	v8 =	vadd.f32 v2, v8;
	v2 =	vmul.f32 v20, v6  }
0x5e: {  	v19 =	vld [tilespmem:s21+$0xFFFFFFB0];
	v9 =	vadd.f32 v10, v9;
	v0 =	vadd.f32 v0, v5;
	v5 =	vmov s25  }
0x5f: {  	v12 =	vld [tilespmem:s21+$0xFFFFFFC0];
	v1 =	vadd.f32 v1, v4;
	v4 =	vmul.f32 v21, v6;
	v7 =	vperm.xlane v3, v5  }
0x60: {  	v10 =	vld [tilespmem:s21+$0xFFFFFFD0];
	v2 =	vadd.f32 v2, v16;
	v5 =	vmul.f32 v22, v6;
	v6 =	vmul.f32 v15, v6  }
0x61: {  	v4 =	vadd.f32 v4, v13;
	v14 =	vmul.f32 v14, v7;
	v16 =	vmul.f32 v11, v7;
	v11 =	vld [tilespmem:s21+$0xFFFFFFE0]  }
0x62: {  	v13 =	vld [tilespmem:s21+$0xFFFFFFF0];
	v5 =	vadd.f32 v5, v17;
	v6 =	vadd.f32 v6, v23;
	v15 =	vmul.f32 v18, v7;
	s21 =	sadd.s32 $0x80, s21  }
0x63: {  	s24 =	simm.s32 $0x2;
	s23 =	simm.s32 $0x1;
	v8 =	vadd.f32 v14, v8;
	v14 =	vld [tilespmem:s21+$0x0];
	v9 =	vadd.f32 v16, v9;
	v16 =	vmul.f32 v19, v7  }
.LBB2_5:
0x64: {  	p0 =	sne.s32 s24, $0xF;
	v17 =	vld [tilespmem:s21+$0xFFFFFF90];
	v0 =	vadd.f32 v15, v0;
	v12 =	vmul.f32 v12, v7  }
0x65: {  	v15 =	vmov s23;
	s23 =	smov.u32 s24;
	v18 =	vld [tilespmem:s21+$0xFFFFFFA0];
	v1 =	vadd.f32 v16, v1;
	v10 =	vmul.f32 v10, v7  }
0x66: {  	v15 =	vperm.xlane v3, v15;
	v16 =	vld [tilespmem:s21+$0xFFFFFFB0];
	v2 =	vadd.f32 v12, v2;
	v11 =	vmul.f32 v11, v7  }
.Ltmp1:
0x67: {  	v12 =	vld [tilespmem:s21+$0xFFFFFFC0];
	v4 =	vadd.f32 v10, v4;
	v13 =	vmul.f32 v13, v7;
	(pc) =	sbr.rel @p0 .LBB2_5-.Ltmp1, $4  }
0x68: {  	v7 =	vmov v15;
	v10 =	vld [tilespmem:s21+$0xFFFFFFD0];
	v14 =	vmul.f32 v14, v15;
	v5 =	vadd.f32 v11, v5  }
0x69: {  	v17 =	vmul.f32 v17, v7;
	v11 =	vld [tilespmem:s21+$0xFFFFFFE0];
	v6 =	vadd.f32 v13, v6  }
0x6a: {  	v15 =	vmul.f32 v18, v7;
	v13 =	vld [tilespmem:s21+$0xFFFFFFF0];
	v8 =	vadd.f32 v14, v8;
	s21 =	sadd.s32 $0x80, s21  }
0x6b: {  	s24 =	sadd.s32 $0x1, s24;
	v14 =	vld [tilespmem:s21+$0x0];
	v9 =	vadd.f32 v17, v9;
	v16 =	vmul.f32 v16, v7  }
0x6c: {  	v17 =	vld [tilespmem:s21+$0xFFFFFF90]  }
0x6d: {  	v18 =	vld [tilespmem:s21+$0xFFFFFFA0]  }
0x6e: {  	v19 =	vld [tilespmem:s21+$0xFFFFFFB0]  }
0x6f: {  	v20 =	vld [tilespmem:s21+$0xFFFFFFC0]  }
0x70: {  	v21 =	vld [tilespmem:s21+$0xFFFFFFD0]  }
0x71: {  	v15 =	vadd.f32 v15, v0;
	v0 =	vmul.f32 v12, v7;
	v12 =	vmov s23;
	v22 =	vld [tilespmem:s21+$0xFFFFFFE0]  }
0x72: {  	v23 =	vld [tilespmem:s21+$0xFFFFFFF0];
	s25 =	simm.s32 $0x0;
	v16 =	vadd.f32 v16, v1;
	v1 =	vmul.f32 v10, v7;
	v10 =	vperm.xlane v3, v12  }
0x73: {  	v12 =	vmov s25;
	v3 =	vadd.f32 v0, v2;
	v2 =	vmul.f32 v11, v7;
	v0 =	vld [tilespmem:s17+$0x2020]  }
0x74: {  	v7 =	vmul.f32 v13, v7;
	v4 =	vadd.f32 v1, v4;
	v13 =	vld [tilespmem:s20+$0x0];
	v1 =	vmul.f32 v14, v10  }
0x75: {  	v5 =	vadd.f32 v2, v5;
	v14 =	vld [tilespmem:s20+$0xFFFFFF90];
	v11 =	vmul.f32 v17, v10;
	v2 =	vmul.f32 v18, v10  }
0x76: {  	v6 =	vadd.f32 v7, v6;
	v7 =	vmul.f32 v19, v10;
	v17 =	vld [tilespmem:s20+$0xFFFFFFA0];
	v8 =	vadd.f32 v1, v8  }
0x77: {  	v18 =	vld [tilespmem:s20+$0xFFFFFFB0];
	v19 =	vmul.f32 v23, v10;
	v9 =	vadd.f32 v11, v9;
	v1 =	vadd.f32 v2, v15  }
0x78: {  	v11 =	vmul.f32 v20, v10;
	v2 =	vadd.f32 v7, v16;
	v7 =	vperm.xlane v0, v12;
	v12 =	vld [tilespmem:s20+$0xFFFFFFC0]  }
0x79: {  	v15 =	vmul.f32 v21, v10;
	v16 =	vmul.f32 v22, v10;
	v10 =	vld [tilespmem:s20+$0xFFFFFFD0];
	v6 =	vadd.f32 v19, v6  }
0x7a: {  	v3 =	vadd.f32 v11, v3;
	v62 =	vmul.f32 v13, v7;
	v63 =	vmul.f32 v14, v7;
	v11 =	vld [tilespmem:s20+$0xFFFFFFE0]  }
0x7b: {  	v4 =	vadd.f32 v15, v4;
	v5 =	vadd.f32 v16, v5;
	v13 =	vld [tilespmem:s20+$0xFFFFFFF0];
	s20 =	sadd.s32 $0x80, s20;
	v15 =	vmul.f32 v17, v7  }
0x7c: {  	s21 =	simm.s32 $0x1;
	s23 =	simm.s32 $0x2;
	v14 =	vld [tilespmem:s20+$0x0];
	v16 =	vmul.f32 v18, v7;
	v8 =	vadd.f32 v62, v8;
	v9 =	vadd.f32 v63, v9  }
.LBB2_7:
0x7d: {  	p0 =	sne.s32 s23, $0xF;
	v17 =	vld [tilespmem:s20+$0xFFFFFF90];
	v1 =	vadd.f32 v15, v1;
	v12 =	vmul.f32 v12, v7  }
0x7e: {  	v15 =	vmov s21;
	s21 =	smov.u32 s23;
	v18 =	vld [tilespmem:s20+$0xFFFFFFA0];
	v2 =	vadd.f32 v16, v2;
	v10 =	vmul.f32 v10, v7  }
0x7f: {  	v15 =	vperm.xlane v0, v15;
	v16 =	vld [tilespmem:s20+$0xFFFFFFB0];
	v3 =	vadd.f32 v12, v3;
	v11 =	vmul.f32 v11, v7  }
.Ltmp2:
0x80: {  	v12 =	vld [tilespmem:s20+$0xFFFFFFC0];
	v4 =	vadd.f32 v10, v4;
	v13 =	vmul.f32 v13, v7;
	(pc) =	sbr.rel @p0 .LBB2_7-.Ltmp2, $4  }
0x81: {  	v7 =	vmov v15;
	v10 =	vld [tilespmem:s20+$0xFFFFFFD0];
	v14 =	vmul.f32 v14, v15;
	v5 =	vadd.f32 v11, v5  }
0x82: {  	v17 =	vmul.f32 v17, v7;
	v11 =	vld [tilespmem:s20+$0xFFFFFFE0];
	v6 =	vadd.f32 v13, v6  }
0x83: {  	v15 =	vmul.f32 v18, v7;
	v13 =	vld [tilespmem:s20+$0xFFFFFFF0];
	v8 =	vadd.f32 v14, v8;
	s20 =	sadd.s32 $0x80, s20  }
0x84: {  	s23 =	sadd.s32 $0x1, s23;
	v14 =	vld [tilespmem:s20+$0x0];
	v9 =	vadd.f32 v17, v9;
	v16 =	vmul.f32 v16, v7  }
0x85: {  	v17 =	vld [tilespmem:s20+$0xFFFFFF90]  }
0x86: {  	v18 =	vld [tilespmem:s20+$0xFFFFFFA0]  }
0x87: {  	v19 =	vld [tilespmem:s20+$0xFFFFFFB0]  }
0x88: {  	v20 =	vld [tilespmem:s20+$0xFFFFFFC0]  }
0x89: {  	v21 =	vld [tilespmem:s20+$0xFFFFFFD0]  }
0x8a: {  	v22 =	vld [tilespmem:s20+$0xFFFFFFE0];
	s23 =	smul.u32 $0xC800, s16  }
0x8b: {  	v23 =	vld [tilespmem:s20+$0xFFFFFFF0]  }
0x8c: {  	v24 =	vld [tilespmem:s17+$0x2030];
	s20 =	sshrl.u32 s23, $0x2  }
0x8d: {  	v1 =	vadd.f32 v15, v1;
	v25 =	vld [tilespmem:s20+$0x5880]  }
0x8e: {  	v12 =	vmul.f32 v12, v7;
	v15 =	vmov s21;
	v10 =	vmul.f32 v10, v7;
	v26 =	vld [tilespmem:s20+$0x5890]  }
0x8f: {  	v0 =	vperm.xlane v0, v15;
	v11 =	vmul.f32 v11, v7;
	v15 =	vld [tilespmem:s20+$0x58A0]  }
0x90: {  	v2 =	vadd.f32 v16, v2;
	v3 =	vadd.f32 v12, v3;
	v7 =	vmul.f32 v13, v7;
	v12 =	vld [tilespmem:s20+$0x58B0]  }
0x91: {  	v4 =	vadd.f32 v10, v4;
	v62 =	vld [tilespmem:s20+$0x5920];
	v10 =	vmul.f32 v14, v0;
	v5 =	vadd.f32 v11, v5  }
0x92: {  	v63 =	vld [tilespmem:s20+$0x5930];
	v13 =	vmul.f32 v17, v0;
	v6 =	vadd.f32 v7, v6;
	v7 =	vmul.f32 v18, v0  }
0x93: {  	v14 =	vld [tilespmem:s20+$0x58C0];
	v16 =	vmul.f32 v21, v0;
	v8 =	vadd.f32 v10, v8;
	v10 =	vmul.f32 v19, v0  }
0x94: {  	v11 =	vld [tilespmem:s20+$0x58D0];
	v18 =	vbroadcast v24, $0x0;
	v1 =	vadd.f32 v7, v1;
	v7 =	vmul.f32 v20, v0  }
0x95: {  	v19 =	vld [tilespmem:s20+$0x5900];
	v9 =	vadd.f32 v13, v9;
	v2 =	vadd.f32 v10, v2;
	v10 =	vmul.f32 v22, v0  }
0x96: {  	v4 =	vadd.f32 v16, v4;
	v0 =	vmul.f32 v23, v0;
	v3 =	vadd.f32 v7, v3;
	v7 =	vld [tilespmem:s20+$0x5910]  }
0x97: {  	v17 =	vld [tilespmem:s20+$0x58F0];
	v16 =	vmul.f32 v26, v18;
	v5 =	vadd.f32 v10, v5;
	v10 =	vmul.f32 v25, v18  }
0x98: {  	v13 =	vld [tilespmem:s20+$0x58E0];
	v0 =	vadd.f32 v0, v6;
	v6 =	vmul.f32 v15, v18;
	v15 =	vbroadcast v24, $0x1  }
0x99: {  	v1 =	vadd.f32 v16, v1;
	v9 =	vadd.f32 v10, v9;
	v10 =	vmul.f32 v12, v18;
	v12 =	vld [tilespmem:s20+$0x5940]  }
0x9a: {  	v16 =	vld [tilespmem:s20+$0x5950];
	v2 =	vadd.f32 v6, v2;
	v6 =	vmul.f32 v14, v18;
	v14 =	vmul.f32 v19, v15  }
0x9b: {  	v3 =	vadd.f32 v10, v3;
	v10 =	vmul.f32 v11, v18;
	v7 =	vmul.f32 v7, v15;
	v11 =	vld [tilespmem:s20+$0x5960]  }
0x9c: {  	v4 =	vadd.f32 v6, v4;
	v6 =	vadd.f32 v14, v9;
	v9 =	vmul.f32 v62, v15;
	v14 =	vld [tilespmem:s20+$0x5970]  }
0x9d: {  	s21 =	sshll.u32 s16, $0x8;
	v5 =	vadd.f32 v10, v5;
	v1 =	vadd.f32 v7, v1;
	v7 =	vmul.f32 v63, v15  }
0x9e: {  	v10 =	vmul.f32 v13, v18;
	v2 =	vadd.f32 v9, v2;
	[tilespmem:s21+$0x1D080] =	vst v6;
	v9 =	vmul.f32 v12, v15  }
0x9f: {  	v6 =	vmul.f32 v17, v18;
	v3 =	vadd.f32 v7, v3;
	v7 =	vmul.f32 v16, v15;
	[tilespmem:s21+$0x1D090] =	vst v1  }
0xa0: {  	v0 =	vadd.f32 v10, v0;
	[tilespmem:s21+$0x1D0A0] =	vst v2;
	v1 =	vadd.f32 v9, v4;
	v4 =	vmul.f32 v11, v15  }
0xa1: {  	v2 =	vadd.f32 v6, v8;
	v6 =	vmul.f32 v14, v15;
	v5 =	vadd.f32 v7, v5;
	[tilespmem:s21+$0x1D0B0] =	vst v3  }
0xa2: {  	v0 =	vadd.f32 v4, v0;
	[tilespmem:s21+$0x1D0C0] =	vst v1  }
0xa3: {  	v1 =	vadd.f32 v6, v2;
	[tilespmem:s21+$0x1D0D0] =	vst v5  }
0xa4: {  	[tilespmem:s21+$0x1D0E0] =	vst v0  }
0xa5: {  	[tilespmem:s21+$0x1D0F0] =	vst v1  }
0xa6: {  	v8 =	vld [tilespmem:$0x4000]  }
0xa7: {  	v5 =	vld [tilespmem:$0x4010]  }
0xa8: {  	v4 =	vld [tilespmem:$0x4020]  }
0xa9: {  	v0 =	vld [tilespmem:$0x4030]  }
0xaa: {  	v3 =	vld [tilespmem:$0x4040]  }
0xab: {  	v1 =	vld [tilespmem:$0x4050]  }
0xac: {  	v2 =	vld [tilespmem:$0x4060]  }
0xad: {  	v7 =	vld [tilespmem:$0x4070]  }
0xae: {  	v6 =	vld [tilespmem:s17+$0x2040]  }
0xaf: {  	v10 =	vld [tilespmem:s22+$0x0]  }
0xb0: {  	v12 =	vld [tilespmem:s22+$0xFFFFFF90]  }
0xb1: {  	s25 =	simm.s32 $0x0;
	v13 =	vld [tilespmem:s22+$0xFFFFFFA0]  }
0xb2: {  	v9 =	vmov s25;
	v16 =	vld [tilespmem:s22+$0xFFFFFFB0]  }
0xb3: {  	v14 =	vld [tilespmem:s22+$0xFFFFFFC0];
	v9 =	vperm.xlane v6, v9  }
0xb4: {  	v11 =	vld [tilespmem:s22+$0xFFFFFFD0]  }
0xb5: {  	v17 =	vmul.f32 v10, v9;
	v18 =	vmul.f32 v12, v9;
	v10 =	vld [tilespmem:s22+$0xFFFFFFE0]  }
0xb6: {  	s23 =	sadd.s32 $0x80, s22;
	v15 =	vmul.f32 v13, v9;
	v12 =	vld [tilespmem:s22+$0xFFFFFFF0]  }
0xb7: {  	s24 =	simm.s32 $0x1;
	s25 =	simm.s32 $0x2;
	s22 =	sor.u32 $0x1D080, s21;
	v13 =	vld [tilespmem:s23+$0x0];
	v16 =	vmul.f32 v16, v9;
	v7 =	vadd.f32 v17, v7;
	v8 =	vadd.f32 v18, v8  }
.LBB2_9:
0xb8: {  	p0 =	sne.s32 s25, $0xF;
	v17 =	vld [tilespmem:s23+$0xFFFFFF90];
	v5 =	vadd.f32 v15, v5;
	v14 =	vmul.f32 v14, v9  }
0xb9: {  	v15 =	vmov s24;
	s24 =	smov.u32 s25;
	v18 =	vld [tilespmem:s23+$0xFFFFFFA0];
	v4 =	vadd.f32 v16, v4;
	v11 =	vmul.f32 v11, v9  }
0xba: {  	v15 =	vperm.xlane v6, v15;
	v16 =	vld [tilespmem:s23+$0xFFFFFFB0];
	v0 =	vadd.f32 v14, v0;
	v10 =	vmul.f32 v10, v9  }
.Ltmp3:
0xbb: {  	v14 =	vld [tilespmem:s23+$0xFFFFFFC0];
	v3 =	vadd.f32 v11, v3;
	v12 =	vmul.f32 v12, v9;
	(pc) =	sbr.rel @p0 .LBB2_9-.Ltmp3, $4  }
0xbc: {  	v9 =	vmov v15;
	v11 =	vld [tilespmem:s23+$0xFFFFFFD0];
	v13 =	vmul.f32 v13, v15;
	v1 =	vadd.f32 v10, v1  }
0xbd: {  	v17 =	vmul.f32 v17, v9;
	v10 =	vld [tilespmem:s23+$0xFFFFFFE0];
	v2 =	vadd.f32 v12, v2  }
0xbe: {  	v15 =	vmul.f32 v18, v9;
	v12 =	vld [tilespmem:s23+$0xFFFFFFF0];
	v7 =	vadd.f32 v13, v7;
	s23 =	sadd.s32 $0x80, s23  }
0xbf: {  	s25 =	sadd.s32 $0x1, s25;
	v13 =	vld [tilespmem:s23+$0x0];
	v8 =	vadd.f32 v17, v8;
	v16 =	vmul.f32 v16, v9  }
0xc0: {  	v17 =	vld [tilespmem:s23+$0xFFFFFF90]  }
0xc1: {  	v18 =	vld [tilespmem:s23+$0xFFFFFFA0]  }
0xc2: {  	v19 =	vld [tilespmem:s23+$0xFFFFFFB0]  }
0xc3: {  	v20 =	vld [tilespmem:s23+$0xFFFFFFC0]  }
0xc4: {  	v21 =	vld [tilespmem:s23+$0xFFFFFFD0]  }
0xc5: {  	v5 =	vadd.f32 v15, v5;
	v14 =	vmul.f32 v14, v9;
	v15 =	vmov s24;
	v22 =	vld [tilespmem:s23+$0xFFFFFFE0]  }
0xc6: {  	v4 =	vadd.f32 v16, v4;
	v11 =	vmul.f32 v11, v9;
	v6 =	vperm.xlane v6, v15;
	v15 =	vld [tilespmem:s23+$0xFFFFFFF0]  }
0xc7: {  	v14 =	vadd.f32 v14, v0;
	v10 =	vmul.f32 v10, v9;
	v0 =	vld [tilespmem:s17+$0x2050];
	v9 =	vmul.f32 v12, v9  }
0xc8: {  	v11 =	vadd.f32 v11, v3;
	v3 =	vmul.f32 v13, v6;
	v13 =	vld [tilespmem:s19+$0x0];
	v12 =	vmul.f32 v17, v6  }
0xc9: {  	v16 =	vadd.f32 v10, v1;
	v9 =	vadd.f32 v9, v2;
	v1 =	vmul.f32 v18, v6;
	v17 =	vld [tilespmem:s19+$0xFFFFFF90]  }
0xca: {  	s25 =	simm.s32 $0x0;
	v2 =	vmul.f32 v19, v6;
	v18 =	vadd.f32 v3, v7;
	v23 =	vadd.f32 v12, v8;
	v8 =	vld [tilespmem:s19+$0xFFFFFFA0]  }
0xcb: {  	v19 =	vld [tilespmem:s19+$0xFFFFFFB0];
	v3 =	vmul.f32 v20, v6;
	v1 =	vadd.f32 v1, v5;
	v5 =	vmov s25  }
0xcc: {  	v2 =	vadd.f32 v2, v4;
	v4 =	vmul.f32 v21, v6;
	v12 =	vld [tilespmem:s19+$0xFFFFFFC0];
	v7 =	vperm.xlane v0, v5  }
0xcd: {  	v10 =	vld [tilespmem:s19+$0xFFFFFFD0];
	v3 =	vadd.f32 v3, v14;
	v5 =	vmul.f32 v22, v6;
	v6 =	vmul.f32 v15, v6  }
0xce: {  	v4 =	vadd.f32 v4, v11;
	v11 =	vld [tilespmem:s19+$0xFFFFFFE0];
	v14 =	vmul.f32 v13, v7;
	v17 =	vmul.f32 v17, v7  }
0xcf: {  	v5 =	vadd.f32 v5, v16;
	v6 =	vadd.f32 v6, v9;
	v13 =	vld [tilespmem:s19+$0xFFFFFFF0];
	s19 =	sadd.s32 $0x80, s19;
	v15 =	vmul.f32 v8, v7  }
0xd0: {  	s24 =	simm.s32 $0x2;
	s23 =	simm.s32 $0x1;
	v16 =	vmul.f32 v19, v7;
	v8 =	vadd.f32 v14, v18;
	v14 =	vld [tilespmem:s19+$0x0];
	v9 =	vadd.f32 v17, v23  }
.LBB2_11:
0xd1: {  	p0 =	sne.s32 s24, $0xF;
	v17 =	vld [tilespmem:s19+$0xFFFFFF90];
	v1 =	vadd.f32 v15, v1;
	v12 =	vmul.f32 v12, v7  }
0xd2: {  	v15 =	vmov s23;
	s23 =	smov.u32 s24;
	v18 =	vld [tilespmem:s19+$0xFFFFFFA0];
	v2 =	vadd.f32 v16, v2;
	v10 =	vmul.f32 v10, v7  }
0xd3: {  	v15 =	vperm.xlane v0, v15;
	v16 =	vld [tilespmem:s19+$0xFFFFFFB0];
	v3 =	vadd.f32 v12, v3;
	v11 =	vmul.f32 v11, v7  }
.Ltmp4:
0xd4: {  	v12 =	vld [tilespmem:s19+$0xFFFFFFC0];
	v4 =	vadd.f32 v10, v4;
	v13 =	vmul.f32 v13, v7;
	(pc) =	sbr.rel @p0 .LBB2_11-.Ltmp4, $4  }
0xd5: {  	v7 =	vmov v15;
	v10 =	vld [tilespmem:s19+$0xFFFFFFD0];
	v14 =	vmul.f32 v14, v15;
	v5 =	vadd.f32 v11, v5  }
0xd6: {  	v17 =	vmul.f32 v17, v7;
	v11 =	vld [tilespmem:s19+$0xFFFFFFE0];
	v6 =	vadd.f32 v13, v6  }
0xd7: {  	v15 =	vmul.f32 v18, v7;
	v13 =	vld [tilespmem:s19+$0xFFFFFFF0];
	v8 =	vadd.f32 v14, v8;
	s19 =	sadd.s32 $0x80, s19  }
0xd8: {  	s24 =	sadd.s32 $0x1, s24;
	v14 =	vld [tilespmem:s19+$0x0];
	v9 =	vadd.f32 v17, v9;
	v16 =	vmul.f32 v16, v7  }
0xd9: {  	v17 =	vld [tilespmem:s19+$0xFFFFFF90]  }
0xda: {  	v18 =	vld [tilespmem:s19+$0xFFFFFFA0]  }
0xdb: {  	v19 =	vld [tilespmem:s19+$0xFFFFFFB0]  }
0xdc: {  	v20 =	vld [tilespmem:s19+$0xFFFFFFC0]  }
0xdd: {  	v21 =	vld [tilespmem:s19+$0xFFFFFFD0];
	v1 =	vadd.f32 v15, v1  }
0xde: {  	v12 =	vmul.f32 v12, v7;
	v15 =	vmov s23;
	v22 =	vld [tilespmem:s19+$0xFFFFFFE0];
	v10 =	vmul.f32 v10, v7  }
0xdf: {  	v2 =	vadd.f32 v16, v2;
	v15 =	vperm.xlane v0, v15;
	v16 =	vld [tilespmem:s19+$0xFFFFFFF0];
	v11 =	vmul.f32 v11, v7  }
0xe0: {  	v0 =	vld [tilespmem:s17+$0x2060];
	v3 =	vadd.f32 v12, v3;
	v7 =	vmul.f32 v13, v7  }
0xe1: {  	v4 =	vadd.f32 v10, v4;
	v13 =	vld [tilespmem:s18+$0x0];
	v10 =	vmul.f32 v14, v15;
	v5 =	vadd.f32 v11, v5  }
0xe2: {  	v11 =	vld [tilespmem:s18+$0xFFFFFF90];
	v12 =	vmul.f32 v17, v15;
	v6 =	vadd.f32 v7, v6;
	v7 =	vmul.f32 v18, v15  }
0xe3: {  	s25 =	simm.s32 $0x0;
	v14 =	vld [tilespmem:s18+$0xFFFFFFA0];
	v17 =	vmul.f32 v20, v15;
	v8 =	vadd.f32 v10, v8;
	v10 =	vmul.f32 v19, v15  }
0xe4: {  	v18 =	vld [tilespmem:s18+$0xFFFFFFB0];
	v19 =	vmul.f32 v21, v15;
	v1 =	vadd.f32 v7, v1;
	v7 =	vmov s25  }
0xe5: {  	v9 =	vadd.f32 v12, v9;
	v12 =	vld [tilespmem:s18+$0xFFFFFFC0];
	v3 =	vadd.f32 v17, v3;
	v7 =	vperm.xlane v0, v7  }
0xe6: {  	v17 =	vmul.f32 v22, v15;
	v15 =	vmul.f32 v16, v15;
	v2 =	vadd.f32 v10, v2;
	v10 =	vld [tilespmem:s18+$0xFFFFFFD0]  }
0xe7: {  	v4 =	vadd.f32 v19, v4;
	v16 =	vmul.f32 v13, v7;
	v19 =	vmul.f32 v11, v7;
	v11 =	vld [tilespmem:s18+$0xFFFFFFE0]  }
0xe8: {  	s19 =	sadd.s32 $0x80, s18;
	v5 =	vadd.f32 v17, v5;
	v6 =	vadd.f32 v15, v6;
	v15 =	vmul.f32 v14, v7;
	v13 =	vld [tilespmem:s18+$0xFFFFFFF0]  }
0xe9: {  	s23 =	simm.s32 $0x2;
	s18 =	simm.s32 $0x1;
	v14 =	vld [tilespmem:s19+$0x0];
	v8 =	vadd.f32 v16, v8;
	v9 =	vadd.f32 v19, v9;
	v16 =	vmul.f32 v18, v7  }
.LBB2_13:
0xea: {  	p0 =	sne.s32 s23, $0xF;
	v17 =	vld [tilespmem:s19+$0xFFFFFF90];
	v1 =	vadd.f32 v15, v1;
	v12 =	vmul.f32 v12, v7  }
0xeb: {  	v15 =	vmov s18;
	s18 =	smov.u32 s23;
	v18 =	vld [tilespmem:s19+$0xFFFFFFA0];
	v2 =	vadd.f32 v16, v2;
	v10 =	vmul.f32 v10, v7  }
0xec: {  	v15 =	vperm.xlane v0, v15;
	v16 =	vld [tilespmem:s19+$0xFFFFFFB0];
	v3 =	vadd.f32 v12, v3;
	v11 =	vmul.f32 v11, v7  }
.Ltmp5:
0xed: {  	v12 =	vld [tilespmem:s19+$0xFFFFFFC0];
	v4 =	vadd.f32 v10, v4;
	v13 =	vmul.f32 v13, v7;
	(pc) =	sbr.rel @p0 .LBB2_13-.Ltmp5, $4  }
0xee: {  	v7 =	vmov v15;
	v10 =	vld [tilespmem:s19+$0xFFFFFFD0];
	v14 =	vmul.f32 v14, v15;
	v5 =	vadd.f32 v11, v5  }
0xef: {  	v17 =	vmul.f32 v17, v7;
	v11 =	vld [tilespmem:s19+$0xFFFFFFE0];
	v6 =	vadd.f32 v13, v6  }
0xf0: {  	v15 =	vmul.f32 v18, v7;
	v13 =	vld [tilespmem:s19+$0xFFFFFFF0];
	v8 =	vadd.f32 v14, v8;
	s19 =	sadd.s32 $0x80, s19  }
0xf1: {  	s23 =	sadd.s32 $0x1, s23;
	v14 =	vld [tilespmem:s19+$0x0];
	v9 =	vadd.f32 v17, v9;
	v16 =	vmul.f32 v16, v7  }
0xf2: {  	v17 =	vld [tilespmem:s19+$0xFFFFFF90]  }
0xf3: {  	v18 =	vld [tilespmem:s19+$0xFFFFFFA0]  }
0xf4: {  	v19 =	vld [tilespmem:s19+$0xFFFFFFB0]  }
0xf5: {  	v20 =	vld [tilespmem:s19+$0xFFFFFFC0]  }
0xf6: {  	v21 =	vld [tilespmem:s19+$0xFFFFFFD0]  }
0xf7: {  	v22 =	vld [tilespmem:s19+$0xFFFFFFE0]  }
0xf8: {  	v23 =	vld [tilespmem:s19+$0xFFFFFFF0]  }
0xf9: {  	v24 =	vld [tilespmem:s17+$0x2070]  }
0xfa: {  	v25 =	vld [tilespmem:s20+$0x7180]  }
0xfb: {  	v1 =	vadd.f32 v15, v1;
	v12 =	vmul.f32 v12, v7;
	v57 =	vmov s18;
	v26 =	vld [tilespmem:s20+$0x7190]  }
0xfc: {  	v58 =	vld [tilespmem:s20+$0x71A0];
	v2 =	vadd.f32 v16, v2;
	v10 =	vmul.f32 v10, v7;
	v0 =	vperm.xlane v0, v57  }
0xfd: {  	v60 =	vld [tilespmem:s20+$0x71B0];
	v3 =	vadd.f32 v12, v3;
	v11 =	vmul.f32 v11, v7;
	v59 =	vmul.f32 v13, v7  }
0xfe: {  	v63 =	vld [tilespmem:s20+$0x71C0];
	v4 =	vadd.f32 v10, v4;
	v61 =	vmul.f32 v14, v0;
	v62 =	vmul.f32 v17, v0  }
0xff: {  	v28 =	vld [tilespmem:s20+$0x71D0];
	v5 =	vadd.f32 v11, v5;
	v27 =	vmul.f32 v18, v0;
	v29 =	vmul.f32 v19, v0  }
0x100: {  	v36 =	vld [tilespmem:s20+$0x7200];
	v6 =	vadd.f32 v59, v6;
	v31 =	vmul.f32 v20, v0;
	v32 =	vmul.f32 v21, v0  }
0x101: {  	v37 =	vld [tilespmem:s20+$0x7210];
	v34 =	vmul.f32 v22, v0;
	v35 =	vbroadcast v24, $0x0;
	v8 =	vadd.f32 v61, v8  }
0x102: {  	v40 =	vld [tilespmem:s20+$0x7220];
	v0 =	vmul.f32 v23, v0;
	v9 =	vadd.f32 v62, v9;
	v1 =	vadd.f32 v27, v1  }
0x103: {  	v43 =	vld [tilespmem:s20+$0x7230];
	v42 =	vbroadcast v24, $0x1;
	v2 =	vadd.f32 v29, v2;
	v3 =	vadd.f32 v31, v3  }
0x104: {  	v30 =	vld [tilespmem:s20+$0x71E0];
	v4 =	vadd.f32 v32, v4;
	v38 =	vmul.f32 v25, v35;
	v39 =	vmul.f32 v26, v35  }
0x105: {  	v45 =	vld [tilespmem:s20+$0x7240];
	v5 =	vadd.f32 v34, v5;
	v41 =	vmul.f32 v58, v35;
	v44 =	vmul.f32 v60, v35  }
0x106: {  	v33 =	vld [tilespmem:s20+$0x71F0];
	v0 =	vadd.f32 v0, v6;
	v46 =	vmul.f32 v63, v35;
	v47 =	vmul.f32 v36, v42  }
0x107: {  	v48 =	vld [tilespmem:s20+$0x7250];
	v49 =	vmul.f32 v28, v35;
	v7 =	vmul.f32 v37, v42;
	v9 =	vadd.f32 v38, v9  }
0x108: {  	v50 =	vld [tilespmem:s20+$0x7260];
	v52 =	vmul.f32 v40, v42;
	v54 =	vmul.f32 v43, v42;
	v1 =	vadd.f32 v39, v1  }
0x109: {  	v53 =	vld [tilespmem:s20+$0x7270];
	v55 =	vmul.f32 v30, v35;
	v2 =	vadd.f32 v41, v2;
	v51 =	vadd.f32 v47, v9  }
0x10a: {  	v56 =	vmul.f32 v45, v42;
	v3 =	vadd.f32 v44, v3;
	v1 =	vadd.f32 v7, v1  }
0x10b: {  	v57 =	vmul.f32 v33, v35;
	v4 =	vadd.f32 v46, v4;
	v2 =	vadd.f32 v52, v2;
	[tilespmem:s21+$0x1D100] =	vst v51  }
0x10c: {  	v58 =	vmul.f32 v48, v42;
	v5 =	vadd.f32 v49, v5;
	v3 =	vadd.f32 v54, v3;
	[tilespmem:s21+$0x1D110] =	vst v1  }
0x10d: {  	s25 =	sshll.u32 s15, $0x5;
	s15 =	sadd.s32 $0x1, s15;
	v60 =	vmul.f32 v50, v42;
	v0 =	vadd.f32 v55, v0;
	v59 =	vadd.f32 v56, v4;
	[tilespmem:s21+$0x1D120] =	vst v2  }
0x10e: {  	p0 =	sne.s32 s15, $0x40;
	v62 =	vmul.f32 v53, v42;
	v61 =	vadd.f32 v57, v8;
	v5 =	vadd.f32 v58, v5;
	[tilespmem:s21+$0x1D130] =	vst v3  }
.Ltmp6:
0x10f: {  	v0 =	vadd.f32 v60, v0;
	[tilespmem:s21+$0x1D140] =	vst v59;
	(pc) =	sbr.rel @p0 .LBB2_2-.Ltmp6, $4  }
0x110: {  	v63 =	vadd.f32 v62, v61;
	[tilespmem:s21+$0x1D150] =	vst v5  }
0x111: {  	[tilespmem:s21+$0x1D160] =	vst v0  }
0x112: {  	s16 =	sadd.s32 $0x9, s16;
	s14 =	sadd.s32 $0x1, s14;
	s17 =	sadd.s32 s25, s7;
	[tilespmem:s21+$0x1D170] =	vst v63  }
0x113: {  	[hbm4b:s17+s4] =	stream.linear.scatter [tilespmem:s22], [sflag:s16], $0x100, $0x38;
	[tilespmem:$0x1D880] =	vst v63  }
0x114: {  	_ =	swait.ge [sflag:s28], $0x100  }
0x115: {  	[sflag:s28] =	ssyncset.done $0x0  }
0x116: {  	[sflag:s28] =	ssyncadd.s32 $0xFFFFFF00  }
0x117: {  	_ =	swait.ge [sflag:s29], $0x100  }
0x118: {  	[sflag:s29] =	ssyncset.done $0x0  }
0x119: {  	[sflag:s29] =	ssyncadd.s32 $0xFFFFFF00  }
0x11a: {  	_ =	swait.ge [sflag:s30], $0x100  }
0x11b: {  	[sflag:s30] =	ssyncset.done $0x0  }
0x11c: {  	[sflag:s30] =	ssyncadd.s32 $0xFFFFFF00  }
0x11d: {  	_ =	swait.ge [sflag:s31], $0x100  }
0x11e: {  	[sflag:s31] =	ssyncset.done $0x0  }
0x11f: {  	[sflag:s31] =	ssyncadd.s32 $0xFFFFFF00  }
0x120: {  	_ =	swait.ge [sflag:s0], $0x100  }
0x121: {  	[sflag:s0] =	ssyncset.done $0x0  }
0x122: {  	[sflag:s0] =	ssyncadd.s32 $0xFFFFFF00  }
0x123: {  	_ =	swait.ge [sflag:s3], $0x100  }
0x124: {  	[sflag:s3] =	ssyncset.done $0x0  }
0x125: {  	s13 =	sadd.s32 $0x1, s13;
	[sflag:s3] =	ssyncadd.s32 $0xFFFFFF00  }
0x126: {  	p0 =	sne.s32 s13, s8;
	_ =	swait.ge [sflag:s2], $0x100  }
.Ltmp7:
0x127: {  	[sflag:s2] =	ssyncset.done $0x0;
	(pc) =	sbr.rel @p0 .LBB2_1-.Ltmp7, $4  }
0x128: {  	[sflag:s2] =	ssyncadd.s32 $0xFFFFFF00  }
0x129: {  	_ =	swait.ge [sflag:s11], $0x100  }
0x12a: {  	[sflag:s11] =	ssyncset.done $0x0  }
0x12b: {  	[sflag:s11] =	ssyncadd.s32 $0xFFFFFF00  }
0x12c: {  	_ =	sfence.sel $0x180000  }
0x12d: {  	[bflag:$0x0] =	sbarrier.arrive $0xFFFF  }
0x12e: {  	_ =	strace $0x90000047  }
0x12f: {  	s0 =	stileid.u32;
	[bflag:$0x2] =	sbarrier.arrive $0xFFFF  }
0x130: {  	p0 =	sne.s32 s0, $0x0;
	s0 =	rddreg [dreg:$0x5]  }
0x131: {  	s0 =	sadd.s32 @!p0 $0x100000, s0  }
0x132: {  	[sflag:s0] =	ssyncadd.tile.s32 @!p0 $0x1;
	_ =	shalt  }
.Lfunc_end2:
_tile_overlayer_lowered:
.L_overlay_start_2:
0x133: {  	(tag) =	ssettag $0x2  }
0x134: {  	s0 =	rddreg [dreg:$0x0];
	s2 =	stileid.u32  }
0x135: {  	s1 =	rddreg [dreg:$0x1];
	p0 =	sne.s32 s2, $0x0  }
0x136: {  	s3 =	rddreg [dreg:$0x2];
	[bflag:$0x3] =	sbarrier.arrive $0xFFFF;
	s2 =	simm.s32 @!p0 $0x1C11  }
0x137: {  	[timem:s3], [sflag:s2] =	dma.local @!p0 [hbm:s0], s1  }
0x138: {  	s0 =	simm.s32 @!p0 $0x11  }
0x139: {  	_ =	swait.ge @!p0 [sflag:s0], s1  }
0x13a: {  	s1 =	ssub.s32 @!p0 $0x0, s1;
	[sflag:s0] =	ssyncset.done @!p0 $0x0  }
0x13b: {  	[sflag:s0] =	ssyncadd.s32 @!p0 s1  }
0x13c: {  	[bflag:$0x3] =	sbarrier.arrive $0xFFFF  }
0x13d: {  	_ =	shalt  }

</sc_bundles>
